<compile_context>
chip_gen: v7x
topology: tpu7x:2x2x1
jax: 0.10.2.dev20260603
libtpu: 0.0.44.dev20260713+nightly
codegen_flags: <defaults>
</compile_context>

<pallas_src>
import functools

import jax
import jax.numpy as jnp
from jax import lax
from jax.experimental import pallas as pl
from jax.experimental.pallas import tpu as pltpu
from jax.experimental.pallas import tpu_sc as plsc

D = 128
NUM_NODES = 10000

NC = 2
NS = 16
NW = NC * NS

CHUNK = 64
NBUF = 4
CHUNKS_PER_WORKER = 160
EDGES_PER_WORKER = CHUNK * CHUNKS_PER_WORKER
E_PAD = EDGES_PER_WORKER * NW
AGG_ROWS = 10240
ROWS_PER_TILE = AGG_ROWS // NS
DUMMY_ROW = NUM_NODES

SB = 32
NSB = CHUNKS_PER_WORKER // SB


def _linear_body(x_ref, wt_ref, b_ref, h_ref):
    h_ref[...] = (
        jnp.dot(x_ref[...], wt_ref[...], preferred_element_type=jnp.float32)
        + b_ref[...]
    )


def _linear(x, wt, b2):
    m = x.shape[0]
    bm = 1000
    return pl.pallas_call(
        _linear_body,
        grid=(m // bm,),
        in_specs=[
            pl.BlockSpec((bm, D), lambda i: (i, 0)),
            pl.BlockSpec((D, D), lambda i: (0, 0)),
            pl.BlockSpec((1, D), lambda i: (0, 0)),
        ],
        out_specs=pl.BlockSpec((bm, D), lambda i: (i, 0)),
        out_shape=jax.ShapeDtypeStruct((m, D), jnp.float32),
    )(x, wt, b2)


def _sc_body(h_hbm, src_hbm, dst_hbm, agg_out, deg_out,
             agg_sh, deg_sh, src_v, dst_v, rows0_v, rows1_v, rows2_v, rows3_v,
             ones_v, zdeg_v, sem0, sem1, sem2, sem3):
    rows = (rows0_v, rows1_v, rows2_v, rows3_v)
    sems = (sem0, sem1, sem2, sem3)
    c = lax.axis_index("c")
    s = lax.axis_index("s")
    w = c * NS + s
    row0 = s * ROWS_PER_TILE

    def fill_zrows(i, carry):
        rows0_v[i // (D // 16), pl.ds((i % (D // 16)) * 16, 16)] = jnp.zeros((16,), jnp.float32)
        return carry
    lax.fori_loop(0, CHUNK * (D // 16), fill_zrows, 0)

    def fill_ones(i, carry):
        ones_v[pl.ds(i * 16, 16)] = jnp.ones((16,), jnp.float32)
        return carry
    lax.fori_loop(0, CHUNK // 16, fill_ones, 0)

    def fill_zdeg(i, carry):
        zdeg_v[pl.ds(i * 16, 16)] = jnp.zeros((16,), jnp.float32)
        return carry
    lax.fori_loop(0, ROWS_PER_TILE // 16, fill_zdeg, 0)

    def zero_slab(r, carry):
        pltpu.sync_copy(rows0_v, agg_sh.at[pl.ds(row0 + r * CHUNK, CHUNK)])
        return carry
    lax.fori_loop(0, ROWS_PER_TILE // CHUNK, zero_slab, 0)
    pltpu.sync_copy(zdeg_v, deg_sh.at[pl.ds(row0, ROWS_PER_TILE)])

    plsc.subcore_barrier()

    base = w * CHUNKS_PER_WORKER

    def superblock(sb, carry):
        pltpu.sync_copy(src_hbm.at[pl.ds(base + sb * SB, SB)], src_v)
        pltpu.sync_copy(dst_hbm.at[pl.ds(base + sb * SB, SB)], dst_v)
        for k in range(NBUF - 1):
            pltpu.async_copy(h_hbm.at[src_v.at[k]], rows[k], sems[k])

        def quad(q, c2):
            for k in range(NBUF):
                j = q * NBUF + k
                pltpu.make_async_copy(h_hbm.at[src_v.at[j]], rows[k],
                                      sems[k]).wait()
                nxt = (k + NBUF - 1) % NBUF

                @pl.when(j + NBUF - 1 < SB)
                def _():
                    pltpu.async_copy(h_hbm.at[src_v.at[j + NBUF - 1]],
                                     rows[nxt], sems[nxt])

                pltpu.sync_copy(rows[k], agg_sh.at[dst_v.at[j]], add=True)
                pltpu.sync_copy(ones_v, deg_sh.at[dst_v.at[j]], add=True)
            return c2
        lax.fori_loop(0, SB // NBUF, quad, 0)
        return carry
    lax.fori_loop(0, NSB, superblock, 0)

    plsc.subcore_barrier()

    pltpu.sync_copy(agg_sh.at[pl.ds(row0, ROWS_PER_TILE)],
                    agg_out.at[c, pl.ds(row0, ROWS_PER_TILE)])
    pltpu.sync_copy(deg_sh.at[pl.ds(row0, ROWS_PER_TILE)],
                    deg_out.at[c, pl.ds(row0, ROWS_PER_TILE)])


def _sc_aggregate(h, src2d, dst2d):
    mesh = plsc.VectorSubcoreMesh(core_axis_name="c", subcore_axis_name="s",
                                  num_cores=NC, num_subcores=NS)
    kern = pl.kernel(
        _sc_body,
        out_type=[
            jax.ShapeDtypeStruct((NC, AGG_ROWS, D), jnp.float32),
            jax.ShapeDtypeStruct((NC, AGG_ROWS), jnp.float32),
        ],
        mesh=mesh,
        scratch_types=[
            pltpu.VMEM_SHARED((AGG_ROWS, D), jnp.float32),
            pltpu.VMEM_SHARED((AGG_ROWS,), jnp.float32),
            pltpu.VMEM((SB, CHUNK), jnp.int32),
            pltpu.VMEM((SB, CHUNK), jnp.int32),
            pltpu.VMEM((CHUNK, D), jnp.float32),
            pltpu.VMEM((CHUNK, D), jnp.float32),
            pltpu.VMEM((CHUNK, D), jnp.float32),
            pltpu.VMEM((CHUNK, D), jnp.float32),
            pltpu.VMEM((CHUNK,), jnp.float32),
            pltpu.VMEM((ROWS_PER_TILE,), jnp.float32),
            pltpu.SemaphoreType.DMA,
            pltpu.SemaphoreType.DMA,
            pltpu.SemaphoreType.DMA,
            pltpu.SemaphoreType.DMA,
        ],
    )
    return kern(h, src2d, dst2d)


def _combine_body(p_ref, d_ref, o_ref):
    d = jnp.maximum(d_ref[0] + d_ref[1], 1.0)
    o_ref[...] = (p_ref[0] + p_ref[1]) / d


def _combine(p, d3):
    bm = 1024
    return pl.pallas_call(
        _combine_body,
        grid=(AGG_ROWS // bm,),
        in_specs=[
            pl.BlockSpec((NC, bm, D), lambda i: (0, i, 0)),
            pl.BlockSpec((NC, bm, 1), lambda i: (0, i, 0)),
        ],
        out_specs=pl.BlockSpec((bm, D), lambda i: (i, 0)),
        out_shape=jax.ShapeDtypeStruct((AGG_ROWS, D), jnp.float32),
    )(p, d3)


def kernel(x, edge_index, W, b):
    n_edges = edge_index.shape[1]
    pad = E_PAD - n_edges
    dst = edge_index[0]
    src = edge_index[1]
    src_p = jnp.concatenate(
        [src, jnp.zeros((pad,), jnp.int32)]).reshape(E_PAD // CHUNK, CHUNK)
    dst_p = jnp.concatenate(
        [dst, jnp.full((pad,), DUMMY_ROW, jnp.int32)]).reshape(
            E_PAD // CHUNK, CHUNK)

    h = _linear(x, W.T, b.reshape(1, D))
    agg_p, deg_p = _sc_aggregate(h, src_p, dst_p)
    out_full = _combine(agg_p, deg_p.reshape(NC, AGG_ROWS, 1))
    return out_full[:NUM_NODES]

# --- scband reference (transcript-rebuilt; emitter-appended) ---
"""Pipeline reference for scband-mean-aggregator-43327630082573 (READ-ONLY COPY).

The authoritative reference and input builder live on the scoring server;
editing this copy changes nothing except your own understanding.
"""

import jax, jax.numpy as jnp
import numpy as np

N_NODES = 10000
N_EDGES = 320000
D_IN = 128
D_OUT = 128

def setup_inputs(seed: int = 0) -> dict:
    key = jax.random.key(seed)
    k1, k2, k3, k4 = jax.random.split(key, 4)
    x = jax.random.normal(k1, (N_NODES, D_IN), dtype=jnp.float32)
    edge_index = jax.random.randint(k2, (2, N_EDGES), 0, N_NODES, dtype=jnp.int32)
    W = jax.random.normal(k3, (D_OUT, D_IN), dtype=jnp.float32) * 0.05
    b = jax.random.normal(k4, (D_OUT,), dtype=jnp.float32) * 0.05
    return {"x": x, "edge_index": edge_index, "W": W, "b": b}

def reference(x, edge_index, W, b):
    # linear
    h = x @ W.T + b
    # row-normalized spmm: out[dst] = mean over incoming neighbors of h[src]
    dst = edge_index[0]
    src = edge_index[1]
    msgs = jnp.take(h, src, axis=0)
    agg = jax.ops.segment_sum(msgs, dst, num_segments=N_NODES)
    deg = jax.ops.segment_sum(jnp.ones((N_EDGES,), dtype=h.dtype), dst, num_segments=N_NODES)
    deg = jnp.maximum(deg, 1.0)
    return agg / deg[:, None]

if __name__ == "__main__":
    import jax
    _d = setup_inputs()
    print(jax.jit(kernel)(*tuple(_d.values())))

</pallas_src>

<mosaic_0001>
#map = affine_map<(d0, d1) -> (0, 0)>
#map1 = affine_map<(d0, d1) -> (0, 0, 0)>
module attributes {stable_mosaic.version = 14 : i64} {
  func.func @_sc_body(%arg0: i32, %arg1: i32, %arg2: memref<10000x128xf32, #tpu.memory_space<hbm>>, %arg3: memref<5120x64xi32, #tpu.memory_space<hbm>>, %arg4: memref<5120x64xi32, #tpu.memory_space<hbm>>, %arg5: memref<2x10240x128xf32, #tpu.memory_space<hbm>>, %arg6: memref<2x10240xf32, #tpu.memory_space<hbm>>, %arg7: memref<10240x128xf32, #tpu.memory_space<vmem_shared>>, %arg8: memref<10240xf32, #tpu.memory_space<vmem_shared>>, %arg9: memref<32x64xi32, #tpu.memory_space<vmem>>, %arg10: memref<32x64xi32, #tpu.memory_space<vmem>>, %arg11: memref<64x128xf32, #tpu.memory_space<vmem>>, %arg12: memref<64x128xf32, #tpu.memory_space<vmem>>, %arg13: memref<64x128xf32, #tpu.memory_space<vmem>>, %arg14: memref<64x128xf32, #tpu.memory_space<vmem>>, %arg15: memref<64xf32, #tpu.memory_space<vmem>>, %arg16: memref<640xf32, #tpu.memory_space<vmem>>, %arg17: memref<!tpu.dma_semaphore, #tpu.memory_space<semaphore_mem>>, %arg18: memref<!tpu.dma_semaphore, #tpu.memory_space<semaphore_mem>>, %arg19: memref<!tpu.dma_semaphore, #tpu.memory_space<semaphore_mem>>, %arg20: memref<!tpu.dma_semaphore, #tpu.memory_space<semaphore_mem>>) attributes {dimension_semantics = [#tpu.dimension_semantics<core_parallel>, #tpu.dimension_semantics<subcore_parallel>], iteration_bounds = array<i64: 2, 16>, scalar_prefetch = 0 : i64, scratch_operands = 14 : i64, tpu.core_type = #tpu.core_type<sc_vector_subcore>, window_params = [{transform_indices = #map}, {transform_indices = #map}, {transform_indices = #map}, {transform_indices = #map1}, {transform_indices = #map}]} {
    %mul3A = arith.constant 16 : i32
    %mul3A_0 = arith.muli %arg0, %mul3A : i32
    %add3A = arith.addi %mul3A_0, %arg1 : i32
    %mul3A_1 = arith.constant 640 : i32
    %mul3A_2 = arith.muli %arg1, %mul3A_1 : i32
    %scan3A = arith.constant 0 : i32
    %scan3A_3 = arith.constant 0 : i32
    %scan3A_4 = arith.constant 512 : i32
    %scan3A_5 = arith.addi %scan3A_3, %scan3A_4 : i32
    %scan3A_6 = arith.constant 1 : i32
    scf.for %scan3A_35 = %scan3A_3 to %scan3A_5 step %scan3A_6  : i32 {
      %broadcast_in_dim3A = arith.constant 0.000000e+00 : f32
      %broadcast_in_dim3A_36 = vector.broadcast %broadcast_in_dim3A : f32 to vector<16xf32>
      %jit3A = arith.constant 8 : i32
      %div3A = arith.divsi %scan3A_35, %jit3A : i32
      %sign3A = arith.constant 0 : i32
      %sign3A_37 = arith.cmpi sgt, %scan3A_35, %sign3A : i32
      %sign3A_38 = arith.extui %sign3A_37 : i1 to i32
      %sign3A_39 = arith.constant 0 : i32
      %sign3A_40 = arith.cmpi slt, %scan3A_35, %sign3A_39 : i32
      %sign3A_41 = arith.extui %sign3A_40 : i1 to i32
      %sign3A_42 = arith.subi %sign3A_38, %sign3A_41 : i32
      %sign3A_43 = arith.constant 0 : i32
      %sign3A_44 = arith.cmpi sgt, %jit3A, %sign3A_43 : i32
      %sign3A_45 = arith.extui %sign3A_44 : i1 to i32
      %sign3A_46 = arith.constant 0 : i32
      %sign3A_47 = arith.cmpi slt, %jit3A, %sign3A_46 : i32
      %sign3A_48 = arith.extui %sign3A_47 : i1 to i32
      %sign3A_49 = arith.subi %sign3A_45, %sign3A_48 : i32
      %ne3A = arith.cmpi ne, %sign3A_42, %sign3A_49 : i32
      %rem3A = arith.remsi %scan3A_35, %jit3A : i32
      %ne3A_50 = arith.constant 0 : i32
      %ne3A_51 = arith.cmpi ne, %rem3A, %ne3A_50 : i32
      %and3A = arith.andi %ne3A, %ne3A_51 : i1
      %sub3A = arith.constant 1 : i32
      %sub3A_52 = arith.subi %div3A, %sub3A : i32
      %select_n3A = arith.select %and3A, %sub3A_52, %div3A : i32
      %jit3A_53 = arith.constant 8 : i32
      %eq3A = arith.constant 0 : i32
      %eq3A_54 = arith.cmpi eq, %jit3A_53, %eq3A : i32
      %jit3A_55 = arith.constant 1 : i32
      %select_n3A_56 = arith.select %eq3A_54, %jit3A_55, %jit3A_53 : i32
      %rem3A_57 = arith.remsi %scan3A_35, %select_n3A_56 : i32
      %ne3A_58 = arith.constant 0 : i32
      %ne3A_59 = arith.cmpi ne, %rem3A_57, %ne3A_58 : i32
      %lt3A = arith.constant 0 : i32
      %lt3A_60 = arith.cmpi slt, %rem3A_57, %lt3A : i32
      %lt3A_61 = arith.constant 0 : i32
      %lt3A_62 = arith.cmpi slt, %select_n3A_56, %lt3A_61 : i32
      %ne3A_63 = arith.xori %lt3A_60, %lt3A_62 : i1
      %and3A_64 = arith.andi %ne3A_63, %ne3A_59 : i1
      %add3A_65 = arith.addi %rem3A_57, %select_n3A_56 : i32
      %select_n3A_66 = arith.select %and3A_64, %add3A_65, %rem3A_57 : i32
      %mul3A_67 = arith.constant 16 : i32
      %mul3A_68 = arith.muli %select_n3A_66, %mul3A_67 : i32
      %swap3A = arith.index_cast %select_n3A : i32 to index
      %swap3A_69 = arith.index_cast %mul3A_68 : i32 to index
      %swap3A_70 = tpu.vector_load %arg11[%swap3A, %swap3A_69] {strides = array<i32>} : memref<64x128xf32, #tpu.memory_space<vmem>>, vector<1x16xf32>,
      %swap3A_71 = vector.shape_cast %swap3A_70 : vector<1x16xf32> to vector<16xf32>
      %swap3A_72 = vector.shape_cast %broadcast_in_dim3A_36 : vector<16xf32> to vector<1x16xf32>
      tpu.vector_store %arg11[%swap3A, %swap3A_69], %swap3A_72 {strides = array<i32>} : memref<64x128xf32, #tpu.memory_space<vmem>>, vector<1x16xf32>,
    }
    %scan3A_7 = arith.constant 512 : i32
    %scan3A_8 = arith.constant 0 : i32
    %scan3A_9 = arith.constant 0 : i32
    %scan3A_10 = arith.constant 4 : i32
    %scan3A_11 = arith.addi %scan3A_9, %scan3A_10 : i32
    %scan3A_12 = arith.constant 1 : i32
    scf.for %scan3A_35 = %scan3A_9 to %scan3A_11 step %scan3A_12  : i32 {
      %broadcast_in_dim3A = arith.constant 1.000000e+00 : f32
      %broadcast_in_dim3A_36 = vector.broadcast %broadcast_in_dim3A : f32 to vector<16xf32>
      %mul3A_37 = arith.constant 16 : i32
      %mul3A_38 = arith.muli %scan3A_35, %mul3A_37 : i32
      %swap3A = arith.index_cast %mul3A_38 : i32 to index
      %swap3A_39 = tpu.vector_load %arg15[%swap3A] {strides = array<i32>} : memref<64xf32, #tpu.memory_space<vmem>>, vector<16xf32>,
      %swap3A_40 = vector.shape_cast %swap3A_39 : vector<16xf32> to vector<16xf32>
      %swap3A_41 = vector.shape_cast %broadcast_in_dim3A_36 : vector<16xf32> to vector<16xf32>
      tpu.vector_store %arg15[%swap3A], %swap3A_41 {strides = array<i32>} : memref<64xf32, #tpu.memory_space<vmem>>, vector<16xf32>,
    }
    %scan3A_13 = arith.constant 4 : i32
    %scan3A_14 = arith.constant 0 : i32
    %scan3A_15 = arith.constant 0 : i32
    %scan3A_16 = arith.constant 40 : i32
    %scan3A_17 = arith.addi %scan3A_15, %scan3A_16 : i32
    %scan3A_18 = arith.constant 1 : i32
    scf.for %scan3A_35 = %scan3A_15 to %scan3A_17 step %scan3A_18  : i32 {
      %broadcast_in_dim3A = arith.constant 0.000000e+00 : f32
      %broadcast_in_dim3A_36 = vector.broadcast %broadcast_in_dim3A : f32 to vector<16xf32>
      %mul3A_37 = arith.constant 16 : i32
      %mul3A_38 = arith.muli %scan3A_35, %mul3A_37 : i32
      %swap3A = arith.index_cast %mul3A_38 : i32 to index
      %swap3A_39 = tpu.vector_load %arg16[%swap3A] {strides = array<i32>} : memref<640xf32, #tpu.memory_space<vmem>>, vector<16xf32>,
      %swap3A_40 = vector.shape_cast %swap3A_39 : vector<16xf32> to vector<16xf32>
      %swap3A_41 = vector.shape_cast %broadcast_in_dim3A_36 : vector<16xf32> to vector<16xf32>
      tpu.vector_store %arg16[%swap3A], %swap3A_41 {strides = array<i32>} : memref<640xf32, #tpu.memory_space<vmem>>, vector<16xf32>,
    }
    %scan3A_19 = arith.constant 40 : i32
    %scan3A_20 = arith.constant 0 : i32
    %scan3A_21 = arith.constant 0 : i32
    %scan3A_22 = arith.constant 10 : i32
    %scan3A_23 = arith.addi %scan3A_21, %scan3A_22 : i32
    %scan3A_24 = arith.constant 1 : i32
    scf.for %scan3A_35 = %scan3A_21 to %scan3A_23 step %scan3A_24  : i32 {
      %mul3A_36 = arith.constant 64 : i32
      %mul3A_37 = arith.muli %scan3A_35, %mul3A_36 : i32
      %add3A_38 = arith.addi %mul3A_2, %mul3A_37 : i32
      "tpu.region"() ({
        %run_scoped3A = tpu.sem_alloc : memref<!tpu.dma_semaphore, #tpu.memory_space<semaphore_mem>>
        %dma_start3A = arith.constant 0 : i32
        %dma_start3A_39 = tpu.memref_slice %arg7[%add3A_38, %dma_start3A] : memref<10240x128xf32, #tpu.memory_space<vmem_shared>> -> memref<64x128xf32, #tpu.memory_space<vmem_shared>>
        %dma_start3A_40 = arith.constant 0 : i32
        %dma_start3A_41 = tpu.memref_slice %arg7[%add3A_38, %dma_start3A_40] : memref<10240x128xf32, #tpu.memory_space<vmem_shared>> -> memref<64x128xf32, #tpu.memory_space<vmem_shared>>
        tpu.enqueue_dma source(%arg11 : memref<64x128xf32, #tpu.memory_space<vmem>>) target(%dma_start3A_41 : memref<64x128xf32, #tpu.memory_space<vmem_shared>>) target_semaphore(%run_scoped3A : memref<!tpu.dma_semaphore, #tpu.memory_space<semaphore_mem>>)
        %dma_wait3A = arith.constant 0 : i32
        %dma_wait3A_42 = tpu.memref_slice %arg7[%add3A_38, %dma_wait3A] : memref<10240x128xf32, #tpu.memory_space<vmem_shared>> -> memref<64x128xf32, #tpu.memory_space<vmem_shared>>
        %dma_wait3A_43 = arith.constant 0 : i32
        %dma_wait3A_44 = tpu.memref_slice %arg7[%add3A_38, %dma_wait3A_43] : memref<10240x128xf32, #tpu.memory_space<vmem_shared>> -> memref<64x128xf32, #tpu.memory_space<vmem_shared>>
        tpu.wait_dma2 semaphore(%run_scoped3A : memref<!tpu.dma_semaphore, #tpu.memory_space<semaphore_mem>>) src(%arg11 : memref<64x128xf32, #tpu.memory_space<vmem>>) dst(%dma_wait3A_44 : memref<64x128xf32, #tpu.memory_space<vmem_shared>>)
        tpu.yield
      }) : () -> ()
    }
    %scan3A_25 = arith.constant 10 : i32
    "tpu.region"() ({
      %run_scoped3A = tpu.sem_alloc : memref<!tpu.dma_semaphore, #tpu.memory_space<semaphore_mem>>
      %dma_start3A = tpu.memref_slice %arg8[%mul3A_2] : memref<10240xf32, #tpu.memory_space<vmem_shared>> -> memref<640xf32, #tpu.memory_space<vmem_shared>>
      %dma_start3A_35 = tpu.memref_slice %arg8[%mul3A_2] : memref<10240xf32, #tpu.memory_space<vmem_shared>> -> memref<640xf32, #tpu.memory_space<vmem_shared>>
      tpu.enqueue_dma source(%arg16 : memref<640xf32, #tpu.memory_space<vmem>>) target(%dma_start3A_35 : memref<640xf32, #tpu.memory_space<vmem_shared>>) target_semaphore(%run_scoped3A : memref<!tpu.dma_semaphore, #tpu.memory_space<semaphore_mem>>)
      %dma_wait3A = tpu.memref_slice %arg8[%mul3A_2] : memref<10240xf32, #tpu.memory_space<vmem_shared>> -> memref<640xf32, #tpu.memory_space<vmem_shared>>
      %dma_wait3A_36 = tpu.memref_slice %arg8[%mul3A_2] : memref<10240xf32, #tpu.memory_space<vmem_shared>> -> memref<640xf32, #tpu.memory_space<vmem_shared>>
      tpu.wait_dma2 semaphore(%run_scoped3A : memref<!tpu.dma_semaphore, #tpu.memory_space<semaphore_mem>>) src(%arg16 : memref<640xf32, #tpu.memory_space<vmem>>) dst(%dma_wait3A_36 : memref<640xf32, #tpu.memory_space<vmem_shared>>)
      tpu.yield
    }) : () -> ()
    %barrier3A = arith.constant 0 : index
    tpu.barrier barrier_id(%barrier3A)
    %mul3A_26 = arith.constant 160 : i32
    %mul3A_27 = arith.muli %add3A, %mul3A_26 : i32
    %scan3A_28 = arith.constant 0 : i32
    %scan3A_29 = arith.constant 0 : i32
    %scan3A_30 = arith.constant 5 : i32
    %scan3A_31 = arith.addi %scan3A_29, %scan3A_30 : i32
    %scan3A_32 = arith.constant 1 : i32
    scf.for %scan3A_35 = %scan3A_29 to %scan3A_31 step %scan3A_32  : i32 {
      %mul3A_36 = arith.constant 32 : i32
      %mul3A_37 = arith.muli %scan3A_35, %mul3A_36 : i32
      %add3A_38 = arith.addi %mul3A_27, %mul3A_37 : i32
      "tpu.region"() ({
        %run_scoped3A = tpu.sem_alloc : memref<!tpu.dma_semaphore, #tpu.memory_space<semaphore_mem>>
        %dma_start3A_68 = arith.constant 0 : i32
        %dma_start3A_69 = tpu.memref_slice %arg3[%add3A_38, %dma_start3A_68] : memref<5120x64xi32, #tpu.memory_space<hbm>> -> memref<32x64xi32, #tpu.memory_space<hbm>>
        %dma_start3A_70 = arith.constant 0 : i32
        %dma_start3A_71 = tpu.memref_slice %arg3[%add3A_38, %dma_start3A_70] : memref<5120x64xi32, #tpu.memory_space<hbm>> -> memref<32x64xi32, #tpu.memory_space<hbm>>
        tpu.enqueue_dma source(%dma_start3A_71 : memref<32x64xi32, #tpu.memory_space<hbm>>) target(%arg9 : memref<32x64xi32, #tpu.memory_space<vmem>>) target_semaphore(%run_scoped3A : memref<!tpu.dma_semaphore, #tpu.memory_space<semaphore_mem>>)
        %dma_wait3A = arith.constant 0 : i32
        %dma_wait3A_72 = tpu.memref_slice %arg3[%add3A_38, %dma_wait3A] : memref<5120x64xi32, #tpu.memory_space<hbm>> -> memref<32x64xi32, #tpu.memory_space<hbm>>
        %dma_wait3A_73 = arith.constant 0 : i32
        %dma_wait3A_74 = tpu.memref_slice %arg3[%add3A_38, %dma_wait3A_73] : memref<5120x64xi32, #tpu.memory_space<hbm>> -> memref<32x64xi32, #tpu.memory_space<hbm>>
        tpu.wait_dma2 semaphore(%run_scoped3A : memref<!tpu.dma_semaphore, #tpu.memory_space<semaphore_mem>>) src(%dma_wait3A_74 : memref<32x64xi32, #tpu.memory_space<hbm>>) dst(%arg9 : memref<32x64xi32, #tpu.memory_space<vmem>>)
        tpu.yield
      }) : () -> ()
      %mul3A_39 = arith.constant 32 : i32
      %mul3A_40 = arith.muli %scan3A_35, %mul3A_39 : i32
      %add3A_41 = arith.addi %mul3A_27, %mul3A_40 : i32
      "tpu.region"() ({
        %run_scoped3A = tpu.sem_alloc : memref<!tpu.dma_semaphore, #tpu.memory_space<semaphore_mem>>
        %dma_start3A_68 = arith.constant 0 : i32
        %dma_start3A_69 = tpu.memref_slice %arg4[%add3A_41, %dma_start3A_68] : memref<5120x64xi32, #tpu.memory_space<hbm>> -> memref<32x64xi32, #tpu.memory_space<hbm>>
        %dma_start3A_70 = arith.constant 0 : i32
        %dma_start3A_71 = tpu.memref_slice %arg4[%add3A_41, %dma_start3A_70] : memref<5120x64xi32, #tpu.memory_space<hbm>> -> memref<32x64xi32, #tpu.memory_space<hbm>>
        tpu.enqueue_dma source(%dma_start3A_71 : memref<32x64xi32, #tpu.memory_space<hbm>>) target(%arg10 : memref<32x64xi32, #tpu.memory_space<vmem>>) target_semaphore(%run_scoped3A : memref<!tpu.dma_semaphore, #tpu.memory_space<semaphore_mem>>)
        %dma_wait3A = arith.constant 0 : i32
        %dma_wait3A_72 = tpu.memref_slice %arg4[%add3A_41, %dma_wait3A] : memref<5120x64xi32, #tpu.memory_space<hbm>> -> memref<32x64xi32, #tpu.memory_space<hbm>>
        %dma_wait3A_73 = arith.constant 0 : i32
        %dma_wait3A_74 = tpu.memref_slice %arg4[%add3A_41, %dma_wait3A_73] : memref<5120x64xi32, #tpu.memory_space<hbm>> -> memref<32x64xi32, #tpu.memory_space<hbm>>
        tpu.wait_dma2 semaphore(%run_scoped3A : memref<!tpu.dma_semaphore, #tpu.memory_space<semaphore_mem>>) src(%dma_wait3A_74 : memref<32x64xi32, #tpu.memory_space<hbm>>) dst(%arg10 : memref<32x64xi32, #tpu.memory_space<vmem>>)
        tpu.yield
      }) : () -> ()
      %dma_start3A = arith.constant 0 : i32
      %dma_start3A_42 = arith.constant 0 : i32
      %dma_start3A_43 = tpu.memref_slice %arg9[%dma_start3A, %dma_start3A_42] : memref<32x64xi32, #tpu.memory_space<vmem>> -> memref<1x64xi32, #tpu.memory_space<vmem>>
      %dma_start3A_44 = tpu.memref_squeeze %dma_start3A_43 : memref<1x64xi32, #tpu.memory_space<vmem>> -> memref<64xi32, #tpu.memory_space<vmem>>
      %dma_start3A_45 = arith.constant 0 : i32
      %dma_start3A_46 = arith.constant 0 : i32
      %dma_start3A_47 = tpu.memref_slice %arg2[%dma_start3A_45, %dma_start3A_46] : memref<10000x128xf32, #tpu.memory_space<hbm>> -> memref<10000x128xf32, #tpu.memory_space<hbm>>
      tpu.enqueue_indirect_dma source(%dma_start3A_47 : memref<10000x128xf32, #tpu.memory_space<hbm>>) target(%arg11 : memref<64x128xf32, #tpu.memory_space<vmem>>) offsets(%dma_start3A_44 : memref<64xi32, #tpu.memory_space<vmem>>) semaphore(%arg17 : memref<!tpu.dma_semaphore, #tpu.memory_space<semaphore_mem>>)
      %dma_start3A_48 = arith.constant 1 : i32
      %dma_start3A_49 = arith.constant 0 : i32
      %dma_start3A_50 = tpu.memref_slice %arg9[%dma_start3A_48, %dma_start3A_49] : memref<32x64xi32, #tpu.memory_space<vmem>> -> memref<1x64xi32, #tpu.memory_space<vmem>>
      %dma_start3A_51 = tpu.memref_squeeze %dma_start3A_50 : memref<1x64xi32, #tpu.memory_space<vmem>> -> memref<64xi32, #tpu.memory_space<vmem>>
      %dma_start3A_52 = arith.constant 0 : i32
      %dma_start3A_53 = arith.constant 0 : i32
      %dma_start3A_54 = tpu.memref_slice %arg2[%dma_start3A_52, %dma_start3A_53] : memref<10000x128xf32, #tpu.memory_space<hbm>> -> memref<10000x128xf32, #tpu.memory_space<hbm>>
      tpu.enqueue_indirect_dma source(%dma_start3A_54 : memref<10000x128xf32, #tpu.memory_space<hbm>>) target(%arg12 : memref<64x128xf32, #tpu.memory_space<vmem>>) offsets(%dma_start3A_51 : memref<64xi32, #tpu.memory_space<vmem>>) semaphore(%arg18 : memref<!tpu.dma_semaphore, #tpu.memory_space<semaphore_mem>>)
      %dma_start3A_55 = arith.constant 2 : i32
      %dma_start3A_56 = arith.constant 0 : i32
      %dma_start3A_57 = tpu.memref_slice %arg9[%dma_start3A_55, %dma_start3A_56] : memref<32x64xi32, #tpu.memory_space<vmem>> -> memref<1x64xi32, #tpu.memory_space<vmem>>
      %dma_start3A_58 = tpu.memref_squeeze %dma_start3A_57 : memref<1x64xi32, #tpu.memory_space<vmem>> -> memref<64xi32, #tpu.memory_space<vmem>>
      %dma_start3A_59 = arith.constant 0 : i32
      %dma_start3A_60 = arith.constant 0 : i32
      %dma_start3A_61 = tpu.memref_slice %arg2[%dma_start3A_59, %dma_start3A_60] : memref<10000x128xf32, #tpu.memory_space<hbm>> -> memref<10000x128xf32, #tpu.memory_space<hbm>>
      tpu.enqueue_indirect_dma source(%dma_start3A_61 : memref<10000x128xf32, #tpu.memory_space<hbm>>) target(%arg13 : memref<64x128xf32, #tpu.memory_space<vmem>>) offsets(%dma_start3A_58 : memref<64xi32, #tpu.memory_space<vmem>>) semaphore(%arg19 : memref<!tpu.dma_semaphore, #tpu.memory_space<semaphore_mem>>)
      %scan3A_62 = arith.constant 0 : i32
      %scan3A_63 = arith.constant 0 : i32
      %scan3A_64 = arith.constant 8 : i32
      %scan3A_65 = arith.addi %scan3A_63, %scan3A_64 : i32
      %scan3A_66 = arith.constant 1 : i32
      scf.for %scan3A_68 = %scan3A_63 to %scan3A_65 step %scan3A_66  : i32 {
        %mul3A_69 = arith.constant 4 : i32
        %mul3A_70 = arith.muli %scan3A_68, %mul3A_69 : i32
        %add3A_71 = arith.constant 0 : i32
        %add3A_72 = arith.addi %mul3A_70, %add3A_71 : i32
        %dma_wait3A = arith.constant 0 : i32
        %dma_wait3A_73 = tpu.memref_slice %arg9[%add3A_72, %dma_wait3A] : memref<32x64xi32, #tpu.memory_space<vmem>> -> memref<1x64xi32, #tpu.memory_space<vmem>>
        %dma_wait3A_74 = tpu.memref_squeeze %dma_wait3A_73 : memref<1x64xi32, #tpu.memory_space<vmem>> -> memref<64xi32, #tpu.memory_space<vmem>>
        %dma_wait3A_75 = arith.constant 0 : i32
        %dma_wait3A_76 = arith.constant 0 : i32
        %dma_wait3A_77 = tpu.memref_slice %arg2[%dma_wait3A_75, %dma_wait3A_76] : memref<10000x128xf32, #tpu.memory_space<hbm>> -> memref<10000x128xf32, #tpu.memory_space<hbm>>
        tpu.wait_indirect_dma semaphore(%arg17 : memref<!tpu.dma_semaphore, #tpu.memory_space<semaphore_mem>>) src(%dma_wait3A_77 : memref<10000x128xf32, #tpu.memory_space<hbm>>) dst(%arg11 : memref<64x128xf32, #tpu.memory_space<vmem>>)
        %add3A_78 = arith.constant 4 : i32
        %add3A_79 = arith.addi %add3A_72, %add3A_78 : i32
        %sub3A = arith.constant 1 : i32
        %sub3A_80 = arith.subi %add3A_79, %sub3A : i32
        %lt3A = arith.constant 32 : i32
        %lt3A_81 = arith.cmpi slt, %sub3A_80, %lt3A : i32
        %convert_element_type3A = arith.extui %lt3A_81 : i1 to i32
        %cond3A = arith.constant 0 : i32
        %cond3A_82 = arith.cmpi ne, %convert_element_type3A, %cond3A : i32
        scf.if %cond3A_82 {
          %add3A_140 = arith.constant 4 : i32
          %add3A_141 = arith.addi %add3A_72, %add3A_140 : i32
          %sub3A_142 = arith.constant 1 : i32
          %sub3A_143 = arith.subi %add3A_141, %sub3A_142 : i32
          %dma_start3A_144 = arith.constant 0 : i32
          %dma_start3A_145 = tpu.memref_slice %arg9[%sub3A_143, %dma_start3A_144] : memref<32x64xi32, #tpu.memory_space<vmem>> -> memref<1x64xi32, #tpu.memory_space<vmem>>
          %dma_start3A_146 = tpu.memref_squeeze %dma_start3A_145 : memref<1x64xi32, #tpu.memory_space<vmem>> -> memref<64xi32, #tpu.memory_space<vmem>>
          %dma_start3A_147 = arith.constant 0 : i32
          %dma_start3A_148 = arith.constant 0 : i32
          %dma_start3A_149 = tpu.memref_slice %arg2[%dma_start3A_147, %dma_start3A_148] : memref<10000x128xf32, #tpu.memory_space<hbm>> -> memref<10000x128xf32, #tpu.memory_space<hbm>>
          tpu.enqueue_indirect_dma source(%dma_start3A_149 : memref<10000x128xf32, #tpu.memory_space<hbm>>) target(%arg14 : memref<64x128xf32, #tpu.memory_space<vmem>>) offsets(%dma_start3A_146 : memref<64xi32, #tpu.memory_space<vmem>>) semaphore(%arg20 : memref<!tpu.dma_semaphore, #tpu.memory_space<semaphore_mem>>)
        } else {
        }
        "tpu.region"() ({
          %run_scoped3A = tpu.sem_alloc : memref<!tpu.dma_semaphore, #tpu.memory_space<semaphore_mem>>
          %dma_start3A_140 = arith.constant 0 : i32
          %dma_start3A_141 = tpu.memref_slice %arg10[%add3A_72, %dma_start3A_140] : memref<32x64xi32, #tpu.memory_space<vmem>> -> memref<1x64xi32, #tpu.memory_space<vmem>>
          %dma_start3A_142 = tpu.memref_squeeze %dma_start3A_141 : memref<1x64xi32, #tpu.memory_space<vmem>> -> memref<64xi32, #tpu.memory_space<vmem>>
          %dma_start3A_143 = arith.constant 0 : i32
          %dma_start3A_144 = arith.constant 0 : i32
          %dma_start3A_145 = tpu.memref_slice %arg7[%dma_start3A_143, %dma_start3A_144] : memref<10240x128xf32, #tpu.memory_space<vmem_shared>> -> memref<10240x128xf32, #tpu.memory_space<vmem_shared>>
          tpu.enqueue_indirect_dma source(%arg11 : memref<64x128xf32, #tpu.memory_space<vmem>>) target(%dma_start3A_145 : memref<10240x128xf32, #tpu.memory_space<vmem_shared>>) offsets(%dma_start3A_142 : memref<64xi32, #tpu.memory_space<vmem>>) semaphore(%run_scoped3A : memref<!tpu.dma_semaphore, #tpu.memory_space<semaphore_mem>>) {add = true}
          %dma_wait3A_146 = arith.constant 0 : i32
          %dma_wait3A_147 = tpu.memref_slice %arg10[%add3A_72, %dma_wait3A_146] : memref<32x64xi32, #tpu.memory_space<vmem>> -> memref<1x64xi32, #tpu.memory_space<vmem>>
          %dma_wait3A_148 = tpu.memref_squeeze %dma_wait3A_147 : memref<1x64xi32, #tpu.memory_space<vmem>> -> memref<64xi32, #tpu.memory_space<vmem>>
          %dma_wait3A_149 = arith.constant 0 : i32
          %dma_wait3A_150 = arith.constant 0 : i32
          %dma_wait3A_151 = tpu.memref_slice %arg7[%dma_wait3A_149, %dma_wait3A_150] : memref<10240x128xf32, #tpu.memory_space<vmem_shared>> -> memref<10240x128xf32, #tpu.memory_space<vmem_shared>>
          tpu.wait_indirect_dma semaphore(%run_scoped3A : memref<!tpu.dma_semaphore, #tpu.memory_space<semaphore_mem>>) src(%arg11 : memref<64x128xf32, #tpu.memory_space<vmem>>) dst(%dma_wait3A_151 : memref<10240x128xf32, #tpu.memory_space<vmem_shared>>)
          tpu.yield
        }) : () -> ()
        "tpu.region"() ({
          %run_scoped3A = tpu.sem_alloc : memref<!tpu.dma_semaphore, #tpu.memory_space<semaphore_mem>>
          %dma_start3A_140 = arith.constant 0 : i32
          %dma_start3A_141 = tpu.memref_slice %arg10[%add3A_72, %dma_start3A_140] : memref<32x64xi32, #tpu.memory_space<vmem>> -> memref<1x64xi32, #tpu.memory_space<vmem>>
          %dma_start3A_142 = tpu.memref_squeeze %dma_start3A_141 : memref<1x64xi32, #tpu.memory_space<vmem>> -> memref<64xi32, #tpu.memory_space<vmem>>
          %dma_start3A_143 = arith.constant 0 : i32
          %dma_start3A_144 = tpu.memref_slice %arg8[%dma_start3A_143] : memref<10240xf32, #tpu.memory_space<vmem_shared>> -> memref<10240xf32, #tpu.memory_space<vmem_shared>>
          tpu.enqueue_indirect_dma source(%arg15 : memref<64xf32, #tpu.memory_space<vmem>>) target(%dma_start3A_144 : memref<10240xf32, #tpu.memory_space<vmem_shared>>) offsets(%dma_start3A_142 : memref<64xi32, #tpu.memory_space<vmem>>) semaphore(%run_scoped3A : memref<!tpu.dma_semaphore, #tpu.memory_space<semaphore_mem>>) {add = true}
          %dma_wait3A_145 = arith.constant 0 : i32
          %dma_wait3A_146 = tpu.memref_slice %arg10[%add3A_72, %dma_wait3A_145] : memref<32x64xi32, #tpu.memory_space<vmem>> -> memref<1x64xi32, #tpu.memory_space<vmem>>
          %dma_wait3A_147 = tpu.memref_squeeze %dma_wait3A_146 : memref<1x64xi32, #tpu.memory_space<vmem>> -> memref<64xi32, #tpu.memory_space<vmem>>
          %dma_wait3A_148 = arith.constant 0 : i32
          %dma_wait3A_149 = tpu.memref_slice %arg8[%dma_wait3A_148] : memref<10240xf32, #tpu.memory_space<vmem_shared>> -> memref<10240xf32, #tpu.memory_space<vmem_shared>>
          tpu.wait_indirect_dma semaphore(%run_scoped3A : memref<!tpu.dma_semaphore, #tpu.memory_space<semaphore_mem>>) src(%arg15 : memref<64xf32, #tpu.memory_space<vmem>>) dst(%dma_wait3A_149 : memref<10240xf32, #tpu.memory_space<vmem_shared>>)
          tpu.yield
        }) : () -> ()
        %mul3A_83 = arith.constant 4 : i32
        %mul3A_84 = arith.muli %scan3A_68, %mul3A_83 : i32
        %add3A_85 = arith.constant 1 : i32
        %add3A_86 = arith.addi %mul3A_84, %add3A_85 : i32
        %dma_wait3A_87 = arith.constant 0 : i32
        %dma_wait3A_88 = tpu.memref_slice %arg9[%add3A_86, %dma_wait3A_87] : memref<32x64xi32, #tpu.memory_space<vmem>> -> memref<1x64xi32, #tpu.memory_space<vmem>>
        %dma_wait3A_89 = tpu.memref_squeeze %dma_wait3A_88 : memref<1x64xi32, #tpu.memory_space<vmem>> -> memref<64xi32, #tpu.memory_space<vmem>>
        %dma_wait3A_90 = arith.constant 0 : i32
        %dma_wait3A_91 = arith.constant 0 : i32
        %dma_wait3A_92 = tpu.memref_slice %arg2[%dma_wait3A_90, %dma_wait3A_91] : memref<10000x128xf32, #tpu.memory_space<hbm>> -> memref<10000x128xf32, #tpu.memory_space<hbm>>
        tpu.wait_indirect_dma semaphore(%arg18 : memref<!tpu.dma_semaphore, #tpu.memory_space<semaphore_mem>>) src(%dma_wait3A_92 : memref<10000x128xf32, #tpu.memory_space<hbm>>) dst(%arg12 : memref<64x128xf32, #tpu.memory_space<vmem>>)
        %add3A_93 = arith.constant 4 : i32
        %add3A_94 = arith.addi %add3A_86, %add3A_93 : i32
        %sub3A_95 = arith.constant 1 : i32
        %sub3A_96 = arith.subi %add3A_94, %sub3A_95 : i32
        %lt3A_97 = arith.constant 32 : i32
        %lt3A_98 = arith.cmpi slt, %sub3A_96, %lt3A_97 : i32
        %convert_element_type3A_99 = arith.extui %lt3A_98 : i1 to i32
        %cond3A_100 = arith.constant 0 : i32
        %cond3A_101 = arith.cmpi ne, %convert_element_type3A_99, %cond3A_100 : i32
        scf.if %cond3A_101 {
          %add3A_140 = arith.constant 4 : i32
          %add3A_141 = arith.addi %add3A_86, %add3A_140 : i32
          %sub3A_142 = arith.constant 1 : i32
          %sub3A_143 = arith.subi %add3A_141, %sub3A_142 : i32
          %dma_start3A_144 = arith.constant 0 : i32
          %dma_start3A_145 = tpu.memref_slice %arg9[%sub3A_143, %dma_start3A_144] : memref<32x64xi32, #tpu.memory_space<vmem>> -> memref<1x64xi32, #tpu.memory_space<vmem>>
          %dma_start3A_146 = tpu.memref_squeeze %dma_start3A_145 : memref<1x64xi32, #tpu.memory_space<vmem>> -> memref<64xi32, #tpu.memory_space<vmem>>
          %dma_start3A_147 = arith.constant 0 : i32
          %dma_start3A_148 = arith.constant 0 : i32
          %dma_start3A_149 = tpu.memref_slice %arg2[%dma_start3A_147, %dma_start3A_148] : memref<10000x128xf32, #tpu.memory_space<hbm>> -> memref<10000x128xf32, #tpu.memory_space<hbm>>
          tpu.enqueue_indirect_dma source(%dma_start3A_149 : memref<10000x128xf32, #tpu.memory_space<hbm>>) target(%arg11 : memref<64x128xf32, #tpu.memory_space<vmem>>) offsets(%dma_start3A_146 : memref<64xi32, #tpu.memory_space<vmem>>) semaphore(%arg17 : memref<!tpu.dma_semaphore, #tpu.memory_space<semaphore_mem>>)
        } else {
        }
        "tpu.region"() ({
          %run_scoped3A = tpu.sem_alloc : memref<!tpu.dma_semaphore, #tpu.memory_space<semaphore_mem>>
          %dma_start3A_140 = arith.constant 0 : i32
          %dma_start3A_141 = tpu.memref_slice %arg10[%add3A_86, %dma_start3A_140] : memref<32x64xi32, #tpu.memory_space<vmem>> -> memref<1x64xi32, #tpu.memory_space<vmem>>
          %dma_start3A_142 = tpu.memref_squeeze %dma_start3A_141 : memref<1x64xi32, #tpu.memory_space<vmem>> -> memref<64xi32, #tpu.memory_space<vmem>>
          %dma_start3A_143 = arith.constant 0 : i32
          %dma_start3A_144 = arith.constant 0 : i32
          %dma_start3A_145 = tpu.memref_slice %arg7[%dma_start3A_143, %dma_start3A_144] : memref<10240x128xf32, #tpu.memory_space<vmem_shared>> -> memref<10240x128xf32, #tpu.memory_space<vmem_shared>>
          tpu.enqueue_indirect_dma source(%arg12 : memref<64x128xf32, #tpu.memory_space<vmem>>) target(%dma_start3A_145 : memref<10240x128xf32, #tpu.memory_space<vmem_shared>>) offsets(%dma_start3A_142 : memref<64xi32, #tpu.memory_space<vmem>>) semaphore(%run_scoped3A : memref<!tpu.dma_semaphore, #tpu.memory_space<semaphore_mem>>) {add = true}
          %dma_wait3A_146 = arith.constant 0 : i32
          %dma_wait3A_147 = tpu.memref_slice %arg10[%add3A_86, %dma_wait3A_146] : memref<32x64xi32, #tpu.memory_space<vmem>> -> memref<1x64xi32, #tpu.memory_space<vmem>>
          %dma_wait3A_148 = tpu.memref_squeeze %dma_wait3A_147 : memref<1x64xi32, #tpu.memory_space<vmem>> -> memref<64xi32, #tpu.memory_space<vmem>>
          %dma_wait3A_149 = arith.constant 0 : i32
          %dma_wait3A_150 = arith.constant 0 : i32
          %dma_wait3A_151 = tpu.memref_slice %arg7[%dma_wait3A_149, %dma_wait3A_150] : memref<10240x128xf32, #tpu.memory_space<vmem_shared>> -> memref<10240x128xf32, #tpu.memory_space<vmem_shared>>
          tpu.wait_indirect_dma semaphore(%run_scoped3A : memref<!tpu.dma_semaphore, #tpu.memory_space<semaphore_mem>>) src(%arg12 : memref<64x128xf32, #tpu.memory_space<vmem>>) dst(%dma_wait3A_151 : memref<10240x128xf32, #tpu.memory_space<vmem_shared>>)
          tpu.yield
        }) : () -> ()
        "tpu.region"() ({
          %run_scoped3A = tpu.sem_alloc : memref<!tpu.dma_semaphore, #tpu.memory_space<semaphore_mem>>
          %dma_start3A_140 = arith.constant 0 : i32
          %dma_start3A_141 = tpu.memref_slice %arg10[%add3A_86, %dma_start3A_140] : memref<32x64xi32, #tpu.memory_space<vmem>> -> memref<1x64xi32, #tpu.memory_space<vmem>>
          %dma_start3A_142 = tpu.memref_squeeze %dma_start3A_141 : memref<1x64xi32, #tpu.memory_space<vmem>> -> memref<64xi32, #tpu.memory_space<vmem>>
          %dma_start3A_143 = arith.constant 0 : i32
          %dma_start3A_144 = tpu.memref_slice %arg8[%dma_start3A_143] : memref<10240xf32, #tpu.memory_space<vmem_shared>> -> memref<10240xf32, #tpu.memory_space<vmem_shared>>
          tpu.enqueue_indirect_dma source(%arg15 : memref<64xf32, #tpu.memory_space<vmem>>) target(%dma_start3A_144 : memref<10240xf32, #tpu.memory_space<vmem_shared>>) offsets(%dma_start3A_142 : memref<64xi32, #tpu.memory_space<vmem>>) semaphore(%run_scoped3A : memref<!tpu.dma_semaphore, #tpu.memory_space<semaphore_mem>>) {add = true}
          %dma_wait3A_145 = arith.constant 0 : i32
          %dma_wait3A_146 = tpu.memref_slice %arg10[%add3A_86, %dma_wait3A_145] : memref<32x64xi32, #tpu.memory_space<vmem>> -> memref<1x64xi32, #tpu.memory_space<vmem>>
          %dma_wait3A_147 = tpu.memref_squeeze %dma_wait3A_146 : memref<1x64xi32, #tpu.memory_space<vmem>> -> memref<64xi32, #tpu.memory_space<vmem>>
          %dma_wait3A_148 = arith.constant 0 : i32
          %dma_wait3A_149 = tpu.memref_slice %arg8[%dma_wait3A_148] : memref<10240xf32, #tpu.memory_space<vmem_shared>> -> memref<10240xf32, #tpu.memory_space<vmem_shared>>
          tpu.wait_indirect_dma semaphore(%run_scoped3A : memref<!tpu.dma_semaphore, #tpu.memory_space<semaphore_mem>>) src(%arg15 : memref<64xf32, #tpu.memory_space<vmem>>) dst(%dma_wait3A_149 : memref<10240xf32, #tpu.memory_space<vmem_shared>>)
          tpu.yield
        }) : () -> ()
        %mul3A_102 = arith.constant 4 : i32
        %mul3A_103 = arith.muli %scan3A_68, %mul3A_102 : i32
        %add3A_104 = arith.constant 2 : i32
        %add3A_105 = arith.addi %mul3A_103, %add3A_104 : i32
        %dma_wait3A_106 = arith.constant 0 : i32
        %dma_wait3A_107 = tpu.memref_slice %arg9[%add3A_105, %dma_wait3A_106] : memref<32x64xi32, #tpu.memory_space<vmem>> -> memref<1x64xi32, #tpu.memory_space<vmem>>
        %dma_wait3A_108 = tpu.memref_squeeze %dma_wait3A_107 : memref<1x64xi32, #tpu.memory_space<vmem>> -> memref<64xi32, #tpu.memory_space<vmem>>
        %dma_wait3A_109 = arith.constant 0 : i32
        %dma_wait3A_110 = arith.constant 0 : i32
        %dma_wait3A_111 = tpu.memref_slice %arg2[%dma_wait3A_109, %dma_wait3A_110] : memref<10000x128xf32, #tpu.memory_space<hbm>> -> memref<10000x128xf32, #tpu.memory_space<hbm>>
        tpu.wait_indirect_dma semaphore(%arg19 : memref<!tpu.dma_semaphore, #tpu.memory_space<semaphore_mem>>) src(%dma_wait3A_111 : memref<10000x128xf32, #tpu.memory_space<hbm>>) dst(%arg13 : memref<64x128xf32, #tpu.memory_space<vmem>>)
        %add3A_112 = arith.constant 4 : i32
        %add3A_113 = arith.addi %add3A_105, %add3A_112 : i32
        %sub3A_114 = arith.constant 1 : i32
        %sub3A_115 = arith.subi %add3A_113, %sub3A_114 : i32
        %lt3A_116 = arith.constant 32 : i32
        %lt3A_117 = arith.cmpi slt, %sub3A_115, %lt3A_116 : i32
        %convert_element_type3A_118 = arith.extui %lt3A_117 : i1 to i32
        %cond3A_119 = arith.constant 0 : i32
        %cond3A_120 = arith.cmpi ne, %convert_element_type3A_118, %cond3A_119 : i32
        scf.if %cond3A_120 {
          %add3A_140 = arith.constant 4 : i32
          %add3A_141 = arith.addi %add3A_105, %add3A_140 : i32
          %sub3A_142 = arith.constant 1 : i32
          %sub3A_143 = arith.subi %add3A_141, %sub3A_142 : i32
          %dma_start3A_144 = arith.constant 0 : i32
          %dma_start3A_145 = tpu.memref_slice %arg9[%sub3A_143, %dma_start3A_144] : memref<32x64xi32, #tpu.memory_space<vmem>> -> memref<1x64xi32, #tpu.memory_space<vmem>>
          %dma_start3A_146 = tpu.memref_squeeze %dma_start3A_145 : memref<1x64xi32, #tpu.memory_space<vmem>> -> memref<64xi32, #tpu.memory_space<vmem>>
          %dma_start3A_147 = arith.constant 0 : i32
          %dma_start3A_148 = arith.constant 0 : i32
          %dma_start3A_149 = tpu.memref_slice %arg2[%dma_start3A_147, %dma_start3A_148] : memref<10000x128xf32, #tpu.memory_space<hbm>> -> memref<10000x128xf32, #tpu.memory_space<hbm>>
          tpu.enqueue_indirect_dma source(%dma_start3A_149 : memref<10000x128xf32, #tpu.memory_space<hbm>>) target(%arg12 : memref<64x128xf32, #tpu.memory_space<vmem>>) offsets(%dma_start3A_146 : memref<64xi32, #tpu.memory_space<vmem>>) semaphore(%arg18 : memref<!tpu.dma_semaphore, #tpu.memory_space<semaphore_mem>>)
        } else {
        }
        "tpu.region"() ({
          %run_scoped3A = tpu.sem_alloc : memref<!tpu.dma_semaphore, #tpu.memory_space<semaphore_mem>>
          %dma_start3A_140 = arith.constant 0 : i32
          %dma_start3A_141 = tpu.memref_slice %arg10[%add3A_105, %dma_start3A_140] : memref<32x64xi32, #tpu.memory_space<vmem>> -> memref<1x64xi32, #tpu.memory_space<vmem>>
          %dma_start3A_142 = tpu.memref_squeeze %dma_start3A_141 : memref<1x64xi32, #tpu.memory_space<vmem>> -> memref<64xi32, #tpu.memory_space<vmem>>
          %dma_start3A_143 = arith.constant 0 : i32
          %dma_start3A_144 = arith.constant 0 : i32
          %dma_start3A_145 = tpu.memref_slice %arg7[%dma_start3A_143, %dma_start3A_144] : memref<10240x128xf32, #tpu.memory_space<vmem_shared>> -> memref<10240x128xf32, #tpu.memory_space<vmem_shared>>
          tpu.enqueue_indirect_dma source(%arg13 : memref<64x128xf32, #tpu.memory_space<vmem>>) target(%dma_start3A_145 : memref<10240x128xf32, #tpu.memory_space<vmem_shared>>) offsets(%dma_start3A_142 : memref<64xi32, #tpu.memory_space<vmem>>) semaphore(%run_scoped3A : memref<!tpu.dma_semaphore, #tpu.memory_space<semaphore_mem>>) {add = true}
          %dma_wait3A_146 = arith.constant 0 : i32
          %dma_wait3A_147 = tpu.memref_slice %arg10[%add3A_105, %dma_wait3A_146] : memref<32x64xi32, #tpu.memory_space<vmem>> -> memref<1x64xi32, #tpu.memory_space<vmem>>
          %dma_wait3A_148 = tpu.memref_squeeze %dma_wait3A_147 : memref<1x64xi32, #tpu.memory_space<vmem>> -> memref<64xi32, #tpu.memory_space<vmem>>
          %dma_wait3A_149 = arith.constant 0 : i32
          %dma_wait3A_150 = arith.constant 0 : i32
          %dma_wait3A_151 = tpu.memref_slice %arg7[%dma_wait3A_149, %dma_wait3A_150] : memref<10240x128xf32, #tpu.memory_space<vmem_shared>> -> memref<10240x128xf32, #tpu.memory_space<vmem_shared>>
          tpu.wait_indirect_dma semaphore(%run_scoped3A : memref<!tpu.dma_semaphore, #tpu.memory_space<semaphore_mem>>) src(%arg13 : memref<64x128xf32, #tpu.memory_space<vmem>>) dst(%dma_wait3A_151 : memref<10240x128xf32, #tpu.memory_space<vmem_shared>>)
          tpu.yield
        }) : () -> ()
        "tpu.region"() ({
          %run_scoped3A = tpu.sem_alloc : memref<!tpu.dma_semaphore, #tpu.memory_space<semaphore_mem>>
          %dma_start3A_140 = arith.constant 0 : i32
          %dma_start3A_141 = tpu.memref_slice %arg10[%add3A_105, %dma_start3A_140] : memref<32x64xi32, #tpu.memory_space<vmem>> -> memref<1x64xi32, #tpu.memory_space<vmem>>
          %dma_start3A_142 = tpu.memref_squeeze %dma_start3A_141 : memref<1x64xi32, #tpu.memory_space<vmem>> -> memref<64xi32, #tpu.memory_space<vmem>>
          %dma_start3A_143 = arith.constant 0 : i32
          %dma_start3A_144 = tpu.memref_slice %arg8[%dma_start3A_143] : memref<10240xf32, #tpu.memory_space<vmem_shared>> -> memref<10240xf32, #tpu.memory_space<vmem_shared>>
          tpu.enqueue_indirect_dma source(%arg15 : memref<64xf32, #tpu.memory_space<vmem>>) target(%dma_start3A_144 : memref<10240xf32, #tpu.memory_space<vmem_shared>>) offsets(%dma_start3A_142 : memref<64xi32, #tpu.memory_space<vmem>>) semaphore(%run_scoped3A : memref<!tpu.dma_semaphore, #tpu.memory_space<semaphore_mem>>) {add = true}
          %dma_wait3A_145 = arith.constant 0 : i32
          %dma_wait3A_146 = tpu.memref_slice %arg10[%add3A_105, %dma_wait3A_145] : memref<32x64xi32, #tpu.memory_space<vmem>> -> memref<1x64xi32, #tpu.memory_space<vmem>>
          %dma_wait3A_147 = tpu.memref_squeeze %dma_wait3A_146 : memref<1x64xi32, #tpu.memory_space<vmem>> -> memref<64xi32, #tpu.memory_space<vmem>>
          %dma_wait3A_148 = arith.constant 0 : i32
          %dma_wait3A_149 = tpu.memref_slice %arg8[%dma_wait3A_148] : memref<10240xf32, #tpu.memory_space<vmem_shared>> -> memref<10240xf32, #tpu.memory_space<vmem_shared>>
          tpu.wait_indirect_dma semaphore(%run_scoped3A : memref<!tpu.dma_semaphore, #tpu.memory_space<semaphore_mem>>) src(%arg15 : memref<64xf32, #tpu.memory_space<vmem>>) dst(%dma_wait3A_149 : memref<10240xf32, #tpu.memory_space<vmem_shared>>)
          tpu.yield
        }) : () -> ()
        %mul3A_121 = arith.constant 4 : i32
        %mul3A_122 = arith.muli %scan3A_68, %mul3A_121 : i32
        %add3A_123 = arith.constant 3 : i32
        %add3A_124 = arith.addi %mul3A_122, %add3A_123 : i32
        %dma_wait3A_125 = arith.constant 0 : i32
        %dma_wait3A_126 = tpu.memref_slice %arg9[%add3A_124, %dma_wait3A_125] : memref<32x64xi32, #tpu.memory_space<vmem>> -> memref<1x64xi32, #tpu.memory_space<vmem>>
        %dma_wait3A_127 = tpu.memref_squeeze %dma_wait3A_126 : memref<1x64xi32, #tpu.memory_space<vmem>> -> memref<64xi32, #tpu.memory_space<vmem>>
        %dma_wait3A_128 = arith.constant 0 : i32
        %dma_wait3A_129 = arith.constant 0 : i32
        %dma_wait3A_130 = tpu.memref_slice %arg2[%dma_wait3A_128, %dma_wait3A_129] : memref<10000x128xf32, #tpu.memory_space<hbm>> -> memref<10000x128xf32, #tpu.memory_space<hbm>>
        tpu.wait_indirect_dma semaphore(%arg20 : memref<!tpu.dma_semaphore, #tpu.memory_space<semaphore_mem>>) src(%dma_wait3A_130 : memref<10000x128xf32, #tpu.memory_space<hbm>>) dst(%arg14 : memref<64x128xf32, #tpu.memory_space<vmem>>)
        %add3A_131 = arith.constant 4 : i32
        %add3A_132 = arith.addi %add3A_124, %add3A_131 : i32
        %sub3A_133 = arith.constant 1 : i32
        %sub3A_134 = arith.subi %add3A_132, %sub3A_133 : i32
        %lt3A_135 = arith.constant 32 : i32
        %lt3A_136 = arith.cmpi slt, %sub3A_134, %lt3A_135 : i32
        %convert_element_type3A_137 = arith.extui %lt3A_136 : i1 to i32
        %cond3A_138 = arith.constant 0 : i32
        %cond3A_139 = arith.cmpi ne, %convert_element_type3A_137, %cond3A_138 : i32
        scf.if %cond3A_139 {
          %add3A_140 = arith.constant 4 : i32
          %add3A_141 = arith.addi %add3A_124, %add3A_140 : i32
          %sub3A_142 = arith.constant 1 : i32
          %sub3A_143 = arith.subi %add3A_141, %sub3A_142 : i32
          %dma_start3A_144 = arith.constant 0 : i32
          %dma_start3A_145 = tpu.memref_slice %arg9[%sub3A_143, %dma_start3A_144] : memref<32x64xi32, #tpu.memory_space<vmem>> -> memref<1x64xi32, #tpu.memory_space<vmem>>
          %dma_start3A_146 = tpu.memref_squeeze %dma_start3A_145 : memref<1x64xi32, #tpu.memory_space<vmem>> -> memref<64xi32, #tpu.memory_space<vmem>>
          %dma_start3A_147 = arith.constant 0 : i32
          %dma_start3A_148 = arith.constant 0 : i32
          %dma_start3A_149 = tpu.memref_slice %arg2[%dma_start3A_147, %dma_start3A_148] : memref<10000x128xf32, #tpu.memory_space<hbm>> -> memref<10000x128xf32, #tpu.memory_space<hbm>>
          tpu.enqueue_indirect_dma source(%dma_start3A_149 : memref<10000x128xf32, #tpu.memory_space<hbm>>) target(%arg13 : memref<64x128xf32, #tpu.memory_space<vmem>>) offsets(%dma_start3A_146 : memref<64xi32, #tpu.memory_space<vmem>>) semaphore(%arg19 : memref<!tpu.dma_semaphore, #tpu.memory_space<semaphore_mem>>)
        } else {
        }
        "tpu.region"() ({
          %run_scoped3A = tpu.sem_alloc : memref<!tpu.dma_semaphore, #tpu.memory_space<semaphore_mem>>
          %dma_start3A_140 = arith.constant 0 : i32
          %dma_start3A_141 = tpu.memref_slice %arg10[%add3A_124, %dma_start3A_140] : memref<32x64xi32, #tpu.memory_space<vmem>> -> memref<1x64xi32, #tpu.memory_space<vmem>>
          %dma_start3A_142 = tpu.memref_squeeze %dma_start3A_141 : memref<1x64xi32, #tpu.memory_space<vmem>> -> memref<64xi32, #tpu.memory_space<vmem>>
          %dma_start3A_143 = arith.constant 0 : i32
          %dma_start3A_144 = arith.constant 0 : i32
          %dma_start3A_145 = tpu.memref_slice %arg7[%dma_start3A_143, %dma_start3A_144] : memref<10240x128xf32, #tpu.memory_space<vmem_shared>> -> memref<10240x128xf32, #tpu.memory_space<vmem_shared>>
          tpu.enqueue_indirect_dma source(%arg14 : memref<64x128xf32, #tpu.memory_space<vmem>>) target(%dma_start3A_145 : memref<10240x128xf32, #tpu.memory_space<vmem_shared>>) offsets(%dma_start3A_142 : memref<64xi32, #tpu.memory_space<vmem>>) semaphore(%run_scoped3A : memref<!tpu.dma_semaphore, #tpu.memory_space<semaphore_mem>>) {add = true}
          %dma_wait3A_146 = arith.constant 0 : i32
          %dma_wait3A_147 = tpu.memref_slice %arg10[%add3A_124, %dma_wait3A_146] : memref<32x64xi32, #tpu.memory_space<vmem>> -> memref<1x64xi32, #tpu.memory_space<vmem>>
          %dma_wait3A_148 = tpu.memref_squeeze %dma_wait3A_147 : memref<1x64xi32, #tpu.memory_space<vmem>> -> memref<64xi32, #tpu.memory_space<vmem>>
          %dma_wait3A_149 = arith.constant 0 : i32
          %dma_wait3A_150 = arith.constant 0 : i32
          %dma_wait3A_151 = tpu.memref_slice %arg7[%dma_wait3A_149, %dma_wait3A_150] : memref<10240x128xf32, #tpu.memory_space<vmem_shared>> -> memref<10240x128xf32, #tpu.memory_space<vmem_shared>>
          tpu.wait_indirect_dma semaphore(%run_scoped3A : memref<!tpu.dma_semaphore, #tpu.memory_space<semaphore_mem>>) src(%arg14 : memref<64x128xf32, #tpu.memory_space<vmem>>) dst(%dma_wait3A_151 : memref<10240x128xf32, #tpu.memory_space<vmem_shared>>)
          tpu.yield
        }) : () -> ()
        "tpu.region"() ({
          %run_scoped3A = tpu.sem_alloc : memref<!tpu.dma_semaphore, #tpu.memory_space<semaphore_mem>>
          %dma_start3A_140 = arith.constant 0 : i32
          %dma_start3A_141 = tpu.memref_slice %arg10[%add3A_124, %dma_start3A_140] : memref<32x64xi32, #tpu.memory_space<vmem>> -> memref<1x64xi32, #tpu.memory_space<vmem>>
          %dma_start3A_142 = tpu.memref_squeeze %dma_start3A_141 : memref<1x64xi32, #tpu.memory_space<vmem>> -> memref<64xi32, #tpu.memory_space<vmem>>
          %dma_start3A_143 = arith.constant 0 : i32
          %dma_start3A_144 = tpu.memref_slice %arg8[%dma_start3A_143] : memref<10240xf32, #tpu.memory_space<vmem_shared>> -> memref<10240xf32, #tpu.memory_space<vmem_shared>>
          tpu.enqueue_indirect_dma source(%arg15 : memref<64xf32, #tpu.memory_space<vmem>>) target(%dma_start3A_144 : memref<10240xf32, #tpu.memory_space<vmem_shared>>) offsets(%dma_start3A_142 : memref<64xi32, #tpu.memory_space<vmem>>) semaphore(%run_scoped3A : memref<!tpu.dma_semaphore, #tpu.memory_space<semaphore_mem>>) {add = true}
          %dma_wait3A_145 = arith.constant 0 : i32
          %dma_wait3A_146 = tpu.memref_slice %arg10[%add3A_124, %dma_wait3A_145] : memref<32x64xi32, #tpu.memory_space<vmem>> -> memref<1x64xi32, #tpu.memory_space<vmem>>
          %dma_wait3A_147 = tpu.memref_squeeze %dma_wait3A_146 : memref<1x64xi32, #tpu.memory_space<vmem>> -> memref<64xi32, #tpu.memory_space<vmem>>
          %dma_wait3A_148 = arith.constant 0 : i32
          %dma_wait3A_149 = tpu.memref_slice %arg8[%dma_wait3A_148] : memref<10240xf32, #tpu.memory_space<vmem_shared>> -> memref<10240xf32, #tpu.memory_space<vmem_shared>>
          tpu.wait_indirect_dma semaphore(%run_scoped3A : memref<!tpu.dma_semaphore, #tpu.memory_space<semaphore_mem>>) src(%arg15 : memref<64xf32, #tpu.memory_space<vmem>>) dst(%dma_wait3A_149 : memref<10240xf32, #tpu.memory_space<vmem_shared>>)
          tpu.yield
        }) : () -> ()
      }
      %scan3A_67 = arith.constant 8 : i32
    }
    %scan3A_33 = arith.constant 5 : i32
    %barrier3A_34 = arith.constant 0 : index
    tpu.barrier barrier_id(%barrier3A_34)
    "tpu.region"() ({
      %run_scoped3A = tpu.sem_alloc : memref<!tpu.dma_semaphore, #tpu.memory_space<semaphore_mem>>
      %dma_start3A = arith.constant 0 : i32
      %dma_start3A_35 = tpu.memref_slice %arg5[%arg0, %mul3A_2, %dma_start3A] : memref<2x10240x128xf32, #tpu.memory_space<hbm>> -> memref<1x640x128xf32, #tpu.memory_space<hbm>>
      %dma_start3A_36 = tpu.memref_squeeze %dma_start3A_35 : memref<1x640x128xf32, #tpu.memory_space<hbm>> -> memref<640x128xf32, #tpu.memory_space<hbm>>
      %dma_start3A_37 = arith.constant 0 : i32
      %dma_start3A_38 = tpu.memref_slice %arg7[%mul3A_2, %dma_start3A_37] : memref<10240x128xf32, #tpu.memory_space<vmem_shared>> -> memref<640x128xf32, #tpu.memory_space<vmem_shared>>
      tpu.enqueue_dma source(%dma_start3A_38 : memref<640x128xf32, #tpu.memory_space<vmem_shared>>) target(%dma_start3A_36 : memref<640x128xf32, #tpu.memory_space<hbm>>) target_semaphore(%run_scoped3A : memref<!tpu.dma_semaphore, #tpu.memory_space<semaphore_mem>>)
      %dma_wait3A = arith.constant 0 : i32
      %dma_wait3A_39 = tpu.memref_slice %arg5[%arg0, %mul3A_2, %dma_wait3A] : memref<2x10240x128xf32, #tpu.memory_space<hbm>> -> memref<1x640x128xf32, #tpu.memory_space<hbm>>
      %dma_wait3A_40 = tpu.memref_squeeze %dma_wait3A_39 : memref<1x640x128xf32, #tpu.memory_space<hbm>> -> memref<640x128xf32, #tpu.memory_space<hbm>>
      %dma_wait3A_41 = arith.constant 0 : i32
      %dma_wait3A_42 = tpu.memref_slice %arg7[%mul3A_2, %dma_wait3A_41] : memref<10240x128xf32, #tpu.memory_space<vmem_shared>> -> memref<640x128xf32, #tpu.memory_space<vmem_shared>>
      tpu.wait_dma2 semaphore(%run_scoped3A : memref<!tpu.dma_semaphore, #tpu.memory_space<semaphore_mem>>) src(%dma_wait3A_42 : memref<640x128xf32, #tpu.memory_space<vmem_shared>>) dst(%dma_wait3A_40 : memref<640x128xf32, #tpu.memory_space<hbm>>)
      tpu.yield
    }) : () -> ()
    "tpu.region"() ({
      %run_scoped3A = tpu.sem_alloc : memref<!tpu.dma_semaphore, #tpu.memory_space<semaphore_mem>>
      %dma_start3A = tpu.memref_slice %arg6[%arg0, %mul3A_2] : memref<2x10240xf32, #tpu.memory_space<hbm>> -> memref<1x640xf32, #tpu.memory_space<hbm>>
      %dma_start3A_35 = tpu.memref_squeeze %dma_start3A : memref<1x640xf32, #tpu.memory_space<hbm>> -> memref<640xf32, #tpu.memory_space<hbm>>
      %dma_start3A_36 = tpu.memref_slice %arg8[%mul3A_2] : memref<10240xf32, #tpu.memory_space<vmem_shared>> -> memref<640xf32, #tpu.memory_space<vmem_shared>>
      tpu.enqueue_dma source(%dma_start3A_36 : memref<640xf32, #tpu.memory_space<vmem_shared>>) target(%dma_start3A_35 : memref<640xf32, #tpu.memory_space<hbm>>) target_semaphore(%run_scoped3A : memref<!tpu.dma_semaphore, #tpu.memory_space<semaphore_mem>>)
      %dma_wait3A = tpu.memref_slice %arg6[%arg0, %mul3A_2] : memref<2x10240xf32, #tpu.memory_space<hbm>> -> memref<1x640xf32, #tpu.memory_space<hbm>>
      %dma_wait3A_37 = tpu.memref_squeeze %dma_wait3A : memref<1x640xf32, #tpu.memory_space<hbm>> -> memref<640xf32, #tpu.memory_space<hbm>>
      %dma_wait3A_38 = tpu.memref_slice %arg8[%mul3A_2] : memref<10240xf32, #tpu.memory_space<vmem_shared>> -> memref<640xf32, #tpu.memory_space<vmem_shared>>
      tpu.wait_dma2 semaphore(%run_scoped3A : memref<!tpu.dma_semaphore, #tpu.memory_space<semaphore_mem>>) src(%dma_wait3A_38 : memref<640xf32, #tpu.memory_space<vmem_shared>>) dst(%dma_wait3A_37 : memref<640xf32, #tpu.memory_space<hbm>>)
      tpu.yield
    }) : () -> ()
    return
  }
}

module attributes {stable_mosaic.version = 14 : i64} {
  func.func @_linear_body(%arg0: i32, %arg1: memref<1000x128xf32, #tpu.memory_space<vmem>>, %arg2: memref<128x128xf32, #tpu.memory_space<vmem>>, %arg3: memref<1x128xf32, #tpu.memory_space<vmem>>, %arg4: memref<1000x128xf32, #tpu.memory_space<vmem>>) attributes {dimension_semantics = [#tpu.dimension_semantics<arbitrary>], iteration_bounds = array<i64: 10>, scalar_prefetch = 0 : i64, scratch_operands = 0 : i64, tpu.core_type = #tpu.core_type<tc>, window_params = [{transform_indices = @transform_0, window_bounds = array<i64: 1000, 128>}, {pipeline_mode = #tpu.pipeline_mode<synchronous>, transform_indices = @transform_1, window_bounds = array<i64: 128, 128>}, {pipeline_mode = #tpu.pipeline_mode<synchronous>, transform_indices = @transform_2, window_bounds = array<i64: 1, 128>}, {transform_indices = @transform_3, window_bounds = array<i64: 1000, 128>}]} {
    %get3A = arith.constant 0 : index
    %get3A_0 = arith.constant 0 : index
    %get3A_1 = vector.load %arg1[%get3A, %get3A_0] : memref<1000x128xf32, #tpu.memory_space<vmem>>, vector<1000x128xf32>
    %get3A_2 = arith.constant 0 : index
    %get3A_3 = arith.constant 0 : index
    %get3A_4 = vector.load %arg2[%get3A_2, %get3A_3] : memref<128x128xf32, #tpu.memory_space<vmem>>, vector<128x128xf32>
    %dot_general3A = arith.constant dense<0.000000e+00> : vector<1000x128xf32>
    %dot_general3A_5 = tpu.matmul %get3A_1, %get3A_4, %dot_general3A {dimension_numbers = #tpu.dot_dimension_numbers<[1], [0], [0], [1], [0, 0, 1, 1], [], []>, transpose_lhs_hint = false} : vector<1000x128xf32>, vector<128x128xf32>, vector<1000x128xf32> -> vector<1000x128xf32>
    %get3A_6 = arith.constant 0 : index
    %get3A_7 = arith.constant 0 : index
    %get3A_8 = vector.load %arg3[%get3A_6, %get3A_7] : memref<1x128xf32, #tpu.memory_space<vmem>>, vector<1x128xf32>
    %add3A = vector.broadcast %get3A_8 : vector<1x128xf32> to vector<1000x128xf32>
    %add3A_9 = arith.addf %dot_general3A_5, %add3A : vector<1000x128xf32>
    %swap3A = arith.constant 0 : index
    %swap3A_10 = arith.constant 0 : index
    %swap3A_11 = vector.load %arg4[%swap3A, %swap3A_10] : memref<1000x128xf32, #tpu.memory_space<vmem>>, vector<1000x128xf32>
    tpu.vector_store %arg4[%swap3A, %swap3A_10], %add3A_9 {strides = array<i32>} : memref<1000x128xf32, #tpu.memory_space<vmem>>, vector<1000x128xf32>,
    return
  }
  func.func @transform_0(%arg0: i32) -> (i32, i32) {
    %c0_i32 = arith.constant 0 : i32
    %c0_i32_0 = arith.constant 0 : i32
    return %arg0, %c0_i32 : i32, i32
  }
  func.func @transform_1(%arg0: i32) -> (i32, i32) {
    %c0_i32 = arith.constant 0 : i32
    %c0_i32_0 = arith.constant 0 : i32
    %c0_i32_1 = arith.constant 0 : i32
    return %c0_i32, %c0_i32_0 : i32, i32
  }
  func.func @transform_2(%arg0: i32) -> (i32, i32) {
    %c0_i32 = arith.constant 0 : i32
    %c0_i32_0 = arith.constant 0 : i32
    %c0_i32_1 = arith.constant 0 : i32
    return %c0_i32, %c0_i32_0 : i32, i32
  }
  func.func @transform_3(%arg0: i32) -> (i32, i32) {
    %c0_i32 = arith.constant 0 : i32
    %c0_i32_0 = arith.constant 0 : i32
    return %arg0, %c0_i32 : i32, i32
  }
}

module attributes {stable_mosaic.version = 14 : i64} {
  func.func @_combine_body(%arg0: i32, %arg1: memref<2x1024x128xf32, #tpu.memory_space<vmem>>, %arg2: memref<2x1024x1xf32, #tpu.memory_space<vmem>>, %arg3: memref<1024x128xf32, #tpu.memory_space<vmem>>) attributes {dimension_semantics = [#tpu.dimension_semantics<arbitrary>], iteration_bounds = array<i64: 10>, scalar_prefetch = 0 : i64, scratch_operands = 0 : i64, tpu.core_type = #tpu.core_type<tc>, window_params = [{transform_indices = @transform_0, window_bounds = array<i64: 2, 1024, 128>}, {transform_indices = @transform_1, window_bounds = array<i64: 2, 1024, 1>}, {transform_indices = @transform_2, window_bounds = array<i64: 1024, 128>}]} {
    %get3A = arith.constant 0 : index
    %get3A_0 = arith.constant 0 : index
    %get3A_1 = arith.constant 0 : index
    %get3A_2 = vector.load %arg2[%get3A, %get3A_0, %get3A_1] : memref<2x1024x1xf32, #tpu.memory_space<vmem>>, vector<1x1024x1xf32>
    %get3A_3 = vector.shape_cast %get3A_2 : vector<1x1024x1xf32> to vector<1024x1xf32>
    %get3A_4 = arith.constant 1 : index
    %get3A_5 = arith.constant 0 : index
    %get3A_6 = arith.constant 0 : index
    %get3A_7 = vector.load %arg2[%get3A_4, %get3A_5, %get3A_6] : memref<2x1024x1xf32, #tpu.memory_space<vmem>>, vector<1x1024x1xf32>
    %get3A_8 = vector.shape_cast %get3A_7 : vector<1x1024x1xf32> to vector<1024x1xf32>
    %add3A = arith.addf %get3A_3, %get3A_8 : vector<1024x1xf32>
    %max3A = arith.constant 1.000000e+00 : f32
    %max3A_9 = vector.broadcast %max3A : f32 to vector<1024x1xf32>
    %max3A_10 = arith.maximumf %add3A, %max3A_9 : vector<1024x1xf32>
    %get3A_11 = arith.constant 0 : index
    %get3A_12 = arith.constant 0 : index
    %get3A_13 = arith.constant 0 : index
    %get3A_14 = vector.load %arg1[%get3A_11, %get3A_12, %get3A_13] : memref<2x1024x128xf32, #tpu.memory_space<vmem>>, vector<1x1024x128xf32>
    %get3A_15 = vector.shape_cast %get3A_14 : vector<1x1024x128xf32> to vector<1024x128xf32>
    %get3A_16 = arith.constant 1 : index
    %get3A_17 = arith.constant 0 : index
    %get3A_18 = arith.constant 0 : index
    %get3A_19 = vector.load %arg1[%get3A_16, %get3A_17, %get3A_18] : memref<2x1024x128xf32, #tpu.memory_space<vmem>>, vector<1x1024x128xf32>
    %get3A_20 = vector.shape_cast %get3A_19 : vector<1x1024x128xf32> to vector<1024x128xf32>
    %add3A_21 = arith.addf %get3A_15, %get3A_20 : vector<1024x128xf32>
    %div3A = vector.broadcast %max3A_10 : vector<1024x1xf32> to vector<1024x128xf32>
    %div3A_22 = arith.divf %add3A_21, %div3A : vector<1024x128xf32>
    %swap3A = arith.constant 0 : index
    %swap3A_23 = arith.constant 0 : index
    %swap3A_24 = vector.load %arg3[%swap3A, %swap3A_23] : memref<1024x128xf32, #tpu.memory_space<vmem>>, vector<1024x128xf32>
    tpu.vector_store %arg3[%swap3A, %swap3A_23], %div3A_22 {strides = array<i32>} : memref<1024x128xf32, #tpu.memory_space<vmem>>, vector<1024x128xf32>,
    return
  }
  func.func @transform_0(%arg0: i32) -> (i32, i32, i32) {
    %c0_i32 = arith.constant 0 : i32
    %c0_i32_0 = arith.constant 0 : i32
    %c0_i32_1 = arith.constant 0 : i32
    return %c0_i32, %arg0, %c0_i32_0 : i32, i32, i32
  }
  func.func @transform_1(%arg0: i32) -> (i32, i32, i32) {
    %c0_i32 = arith.constant 0 : i32
    %c0_i32_0 = arith.constant 0 : i32
    %c0_i32_1 = arith.constant 0 : i32
    return %c0_i32, %arg0, %c0_i32_0 : i32, i32, i32
  }
  func.func @transform_2(%arg0: i32) -> (i32, i32) {
    %c0_i32 = arith.constant 0 : i32
    %c0_i32_0 = arith.constant 0 : i32
    return %arg0, %c0_i32 : i32, i32
  }
}

</mosaic_0001>

<sc_bundles>
// kernel: kernel.5.cloned.1.call-start
scs
__scs_entry_jumppad:
0x0: {  	(pc) =	sbr.rel $0x88, $3  }
0x1: {  	(tag) =	ssettag $0x0;
	lr =	simm.s32 $0x1  }
0x2: {  	[smem:$0x3F9D] =	sst lr;
	_ =	strace $0xD0000000  }
0x3: {  	_ = 	snop  }
0x4: {  	_ = 	snop  }
0x5: {  	_ = 	snop  }
0x6: {  	_ = 	snop  }
0x7: {  	_ = 	snop  }
__scs_overlays_trampoline_lowered:
0x8: {  	[smem:$0x3FAC] =	sst s0  }
0x9: {  	[smem:$0x3FAD] =	sst s1  }
0xa: {  	[smem:$0x3FAE] =	sst s2  }
0xb: {  	[smem:$0x3FAF] =	sst s3  }
0xc: {  	[smem:$0x3FB0] =	sst s4  }
0xd: {  	[smem:$0x3FB1] =	sst s5  }
0xe: {  	[smem:$0x3FB2] =	sst s6  }
0xf: {  	[smem:$0x3FB3] =	sst s7  }
0x10: {  	[smem:$0x3FB4] =	sst s8  }
0x11: {  	[smem:$0x3FB5] =	sst s9;
	s0 =	simm.s32 @!p0 $0x0  }
0x12: {  	s1 =	sld [smem:$0x3F9B];
	s0 =	simm.s32 @p0 $0x1  }
0x13: {  	[smem:$0x3FB6] =	sst s0;
	s0 =	simm.s32 @!p1 $0x0  }
0x14: {  	s2 =	sld [smem:$0x3F9A];
	s0 =	simm.s32 @p1 $0x1  }
0x15: {  	[smem:$0x3FB7] =	sst s0;
	s0 =	simm.s32 @!p2 $0x0  }
0x16: {  	s3 =	sld [smem:$0x3FDB];
	s0 =	simm.s32 @p2 $0x1  }
0x17: {  	s4 =	simm.s32 $0x1BF5;
	[smem:$0x3FB9] =	sst s0  }
0x18: {  	s0 =	sld [smem:$0x3F9C];
	_ =	swait.ge [sflag:s4], $0x0  }
0x19: {  	s7 =	sld [smem:$0x3F9D]  }
0x1a: {  	s8 =	sadd.s32 $0xFFFFE003, lr  }
0x1b: {  	s9 =	sadd.s32 $0xFFFFFEF7, lr;
	s5 =	simm.s32 $0xFFFFFFFF;
	p2 =	slt.u32 s8, $0xFFFFF086  }
0x1c: {  	p1 =	slt.u32 s9, $0xF7A;
	s5 =	simm.s32 @!p2 $0x0  }
0x1d: {  	s5 =	simm.s32 @p1 $0x1;
	p0 =	seq.s32 s7, s2  }
0x1e: {  	s7 =	smul.u32 @!p0 $0xF7A, s2;
	p2 =	seq.s32 @!p0 s5, $0x0  }
0x1f: {  	s9 =	smul.u32 $0xF7A, s1;
	s8 =	simm.s32 @!p0 $0x1BF5;
	p2 =	por !p2, p0  }
0x20: {  	[sflag:s8] =	ssyncset.s32 @!p0 $0xFFFFF086;
	s6 =	sadd.s32 @!p0 s3, s7;
	s7 =	simm.s32 @!p0 $0x108  }
0x21: {  	s3 =	sadd.s32 s3, s9;
	s6 =	sadd.s32 @!p0 $0x88, s6;
	s7 =	simm.s32 @p2 $0x1082  }
0x22: {  	[simem:s7], [sflag:s8] =	dma.local @!p0 [hbm:s6], $0xF7A  }
0x23: {  	s9 =	sor.u32 $0xD0000000, s2;
	s6 =	simm.s32 $0x108;
	_ =	swait.ge @!p0 [sflag:s8], $0x0  }
0x24: {  	s3 =	sadd.s32 $0x88, s3;
	s6 =	simm.s32 @!p1 $0x1082;
	[sflag:s4] =	ssyncset.s32 $0xFFFFF086  }
0x25: {  	[simem:s6], [sflag:s4] =	dma.local [hbm:s3], $0xF7A  }
0x26: {  	[smem:$0x3F9D] =	sst s1;
	(tag) =	ssettag s2;
	_ =	strace s9  }
0x27: {  	s1 =	sld [smem:$0x3FAD]  }
0x28: {  	s2 =	sld [smem:$0x3FAE]  }
0x29: {  	s4 =	sld [smem:$0x3FB0]  }
0x2a: {  	p0 =	seq.s32 s5, $0x0;
	s5 =	sld [smem:$0x3FB1]  }
0x2b: {  	s6 =	sld [smem:$0x3FB2]  }
0x2c: {  	s7 =	sld [smem:$0x3FB3]  }
0x2d: {  	s3 =	simm.s32 $0x108;
	s8 =	sld [smem:$0x3FB4]  }
0x2e: {  	s3 =	simm.s32 @!p0 $0x1082;
	s9 =	sld [smem:$0x3FB5]  }
0x2f: {  	lr =	sadd.s32 s0, s3;
	s0 =	sld [smem:$0x3FAC]  }
0x30: {  	s3 =	sld [smem:$0x3FAF]  }
0x31: {  	[smem:$0x3FB8] =	sst s10  }
0x32: {  	s10 =	sld [smem:$0x3FB6];
	_ =	sdelay $0x3  }
0x33: {  	p0 =	seq.s32 s10, $0x1;
	s10 =	sld [smem:$0x3FB8];
	_ =	sdelay $0x3  }
0x34: {  	[smem:$0x3FB8] =	sst s10  }
0x35: {  	s10 =	sld [smem:$0x3FB7];
	_ =	sdelay $0x3  }
0x36: {  	p1 =	seq.s32 s10, $0x1;
	s10 =	sld [smem:$0x3FB8];
	_ =	sdelay $0x3  }
0x37: {  	[smem:$0x3FB8] =	sst s10  }
0x38: {  	s10 =	sld [smem:$0x3FB9]  }
0x39: {  	_ = 	snop;
	(pc) =	sbr.ind lr, $3  }
0x3a: {  	_ = 	snop  }
0x3b: {  	_ = 	snop  }
0x3c: {  	p2 =	seq.s32 s10, $0x1;
	s10 =	sld [smem:$0x3FB8]  }
0x3d: {  	_ =	shalt  }
0x3e: {  	_ =	shalt  }
0x3f: {  	_ =	shalt  }
0x40: {  	_ =	shalt  }
0x41: {  	_ =	shalt  }
0x42: {  	_ =	shalt  }
0x43: {  	_ =	shalt  }
0x44: {  	_ =	shalt  }
0x45: {  	_ =	shalt  }
0x46: {  	_ =	shalt  }
0x47: {  	_ =	shalt  }
0x48: {  	_ =	shalt  }
0x49: {  	_ =	shalt  }
0x4a: {  	_ =	shalt  }
0x4b: {  	_ =	shalt  }
0x4c: {  	_ =	shalt  }
0x4d: {  	_ =	shalt  }
0x4e: {  	_ =	shalt  }
0x4f: {  	_ =	shalt  }
0x50: {  	_ =	shalt  }
0x51: {  	_ =	shalt  }
0x52: {  	_ =	shalt  }
0x53: {  	_ =	shalt  }
0x54: {  	_ =	shalt  }
0x55: {  	_ =	shalt  }
0x56: {  	_ =	shalt  }
0x57: {  	_ =	shalt  }
0x58: {  	_ =	shalt  }
0x59: {  	_ =	shalt  }
0x5a: {  	_ =	shalt  }
0x5b: {  	_ =	shalt  }
0x5c: {  	_ =	shalt  }
0x5d: {  	_ =	shalt  }
0x5e: {  	_ =	shalt  }
0x5f: {  	_ =	shalt  }
0x60: {  	_ =	shalt  }
0x61: {  	_ =	shalt  }
0x62: {  	_ =	shalt  }
0x63: {  	_ =	shalt  }
0x64: {  	_ =	shalt  }
0x65: {  	_ =	shalt  }
0x66: {  	_ =	shalt  }
0x67: {  	_ =	shalt  }
0x68: {  	_ =	shalt  }
0x69: {  	_ =	shalt  }
0x6a: {  	_ =	shalt  }
0x6b: {  	_ =	shalt  }
0x6c: {  	_ =	shalt  }
0x6d: {  	_ =	shalt  }
0x6e: {  	_ =	shalt  }
0x6f: {  	_ =	shalt  }
0x70: {  	_ =	shalt  }
0x71: {  	_ =	shalt  }
0x72: {  	_ =	shalt  }
0x73: {  	_ =	shalt  }
0x74: {  	_ =	shalt  }
0x75: {  	_ =	shalt  }
0x76: {  	_ =	shalt  }
0x77: {  	_ =	shalt  }
0x78: {  	_ =	shalt  }
0x79: {  	_ =	shalt  }
0x7a: {  	_ =	shalt  }
0x7b: {  	_ =	shalt  }
0x7c: {  	_ =	shalt  }
0x7d: {  	_ =	shalt  }
0x7e: {  	_ =	shalt  }
0x7f: {  	_ =	shalt  }
0x80: {  	_ =	shalt  }
0x81: {  	_ =	shalt  }
0x82: {  	_ =	shalt  }
0x83: {  	_ =	shalt  }
0x84: {  	_ =	shalt  }
0x85: {  	_ =	shalt  }
0x86: {  	_ =	shalt  }
0x87: {  	_ =	shalt  }
.Lfunc_end0:
.L_simem_size_0:
called_computation_lowered:
.L_overlay_start_0:
0x88: {  	s2 =	sld [smem:$0x3FD9]  }
0x89: {  	s3 =	sld [smem:$0x3FFE];
	_ =	sdelay $0x1  }
0x8a: {  	s1 =	srdreg.scid  }
0x8b: {  	s0 =	sand.u32 $0x1, s1  }
0x8c: {  	s17 =	sshll.u32 s0, $0xA;
	s2 =	sadd.s32 s3, s2  }
0x8d: {  	s2 =	sadd.s32 s2, s17  }
0x8e: {  	[smem:$0x3FC4] =	sst s2  }
0x8f: {  	_ = 	snop  }
0x90: {  	s2 =	sld [smem:$0x3FD0];
	(tm) =	ssettm $0x1  }
0x91: {  	s18 =	sld [smem:$0x3FFB];
	_ =	sdelay $0x3  }
0x92: {  	_ =	strace s18  }
0x93: {  	s3 =	sld [smem:$0x3FFC];
	_ =	sdelay $0x3  }
0x94: {  	_ =	strace s3  }
0x95: {  	s3 =	sld [smem:$0x3FFD];
	_ =	sdelay $0x3  }
0x96: {  	_ =	strace s3  }
0x97: {  	_ =	strace $0x8FFFFFFF  }
0x98: {  	s19 =	sld [smem:$0x3FDB];
	_ =	sdelay $0x1  }
0x99: {  	s4 =	simm.s32 $_scs_section_size  }
0x9a: {  	s5 =	simm.s32 $_size__tile_overlayer_lowered;
	s6 =	simm.s32 $_tile_overlayer_lowered  }
0x9b: {  	s22 =	simm.s32 $0x1BFF;
	s21 =	sshll.u32 s6, $0x1;
	s3 =	sadd.s32 s4, s19  }
0x9c: {  	s7 =	simm.s32 $0x0;
	s20 =	sshll.u32 s5, $0x1;
	s5 =	sadd.s32 s21, s3  }
0x9d: {  	[timem:s7], [sflag:s22] =	dma.local [hbm:s5], s20  }
0x9e: {  	_ =	swait.ge [sflag:s22], s20  }
0x9f: {  	s4 =	ssub.s32 $0x0, s20;
	[sflag:s22] =	ssyncset.done $0x0  }
0xa0: {  	[sflag:s22] =	ssyncadd.s32 s4;
	_ =	sdelay $0x1  }
0xa1: {  	s23 =	simm.s32 $0x1B8B  }
0xa2: {  	_ =	swait.ge [sflag:s23], $0x1  }
0xa3: {  	[sflag:s23] =	ssyncset.done $0x0  }
0xa4: {  	s25 =	simm.s32 $0x1B8E;
	s24 =	sld [smem:$0x3FFE];
	[sflag:s23] =	ssyncadd.s32 $0xFFFFFFFF  }
0xa5: {  	s26 =	simm.s32 $execute0_lowered;
	[smem:$0x3FD2] =	sst s25  }
0xa6: {  	s5 =	sshll.u32 s26, $0x1;
	_ =	strace $0x80000046;
	[dreg:$0x1] =	wrdreg $0xFFFFFFFF  }
0xa7: {  	s28 =	simm.s32 $_size_execute0_lowered;
	s3 =	sadd.s32 s3, s5;
	[dreg:$0x0] =	wrdreg $0x0  }
0xa8: {  	s5 =	sshll.u32 s28, $0x1;
	[dreg:$0x2] =	wrdreg s3  }
0xa9: {  	[dreg:$0x3] =	wrdreg s5  }
0xaa: {  	[dreg:$0x4] =	wrdreg $0xC0  }
0xab: {  	_ =	task [dreg:s7], $0x5FFFF  }
0xac: {  	[dreg:$0x1] =	wrdreg $0xFFFFFFFF  }
0xad: {  	[dreg:$0x0] =	wrdreg $0x60  }
0xae: {  	[dreg:$0x2] =	wrdreg s2  }
0xaf: {  	[dreg:$0x3] =	wrdreg s24  }
0xb0: {  	[dreg:$0x4] =	wrdreg $0x0  }
0xb1: {  	[dreg:$0x5] =	wrdreg $0x140000  }
0xb2: {  	[dreg:$0x6] =	wrdreg $0x9  }
0xb3: {  	_ =	task.clear_ibuf [dreg:s7], $0x7FFFF;
	_ =	strace $0x90000046  }
0xb4: {  	s29 =	simm.s32 $0x9;
	_ =	strace $0x80000048  }
0xb5: {  	_ =	swait.ge [sflag:s29], $0x1  }
0xb6: {  	[sflag:s29] =	ssyncadd.s32 $0xFFFFFFFF  }
0xb7: {  	_ =	strace $0x90000048  }
0xb8: {  	_ =	sfence  }
0xb9: {  	s30 =	sld [smem:$0x0];
	_ =	sdelay $0x2  }
0xba: {  	s31 =	sshll.u32 s1, $0xD;
	s1 =	sshrl.u32 s1, $0x2  }
0xbb: {  	s3 =	sand.u32 $0x4000, s31;
	s1 =	sadd.s32 s1, s30  }
0xbc: {  	s0 =	sor.u32 s3, s0;
	s1 =	sshll.u32 s1, $0x11  }
0xbd: {  	s0 =	sor.u32 s1, s0  }
0xbe: {  	s0 =	sadd.s32 $0x8F2B, s0  }
0xbf: {  	[sflag:s0] =	ssyncadd.remote.s32 $0x1  }
0xc0: {  	_ =	sfence.sel $0xFFFF  }
0xc1: {  	[dreg:$0x0] =	wrdreg $0xFFFFFFFF;
	(pc) =	sbr.abs _section_cstart, $3  }
0xc2: {  	[dreg:$0x1] =	wrdreg $0xFFFFFFFF  }
0xc3: {  	_ =	task.clear_ibuf [dreg:s7], $0x2FFFF;
	_ =	strace $0x9FFFFFFF  }
0xc4: {  	(tm) =	ssettm $0x7FFFFFFF  }
0xc5: {  	_ =	shalt  }
tec
execute0_lowered:
.L_overlay_start_1:
0x0: {  	(tag) =	ssettag $0x1  }
0x1: {  	s0 =	rddreg [dreg:$0x0]  }
0x2: {  	s1 =	rddreg [dreg:$0x1]  }
0x3: {  	s3 =	rddreg [dreg:$0x2];
	s2 =	srdreg.scid  }
0x4: {  	s4 =	rddreg [dreg:$0x3];
	s13 =	stileid.u32  }
0x5: {  	s7 =	simm.s32 $0x0;
	s28 =	simm.s32 $0x15280;
	s6 =	smul.u32 $0x14000, s13  }
0x6: {  	s29 =	simm.s32 $0x40;
	s30 =	simm.s32 $0x14300;
	s8 =	smul.u32 $0x500, s13  }
0x7: {  	s31 =	simm.s32 $0x18280;
	s2 =	sand.u32 $0x1, s2;
	s10 =	smul.u32 $0x50000, s13  }
0x8: {  	[smem:$0x7FF] =	sst s7;
	s7 =	sadd.s32 $0xE00, s1;
	s12 =	smul.u32 $0xA00, s13  }
0x9: {  	s5 =	smul.u32 $0x140000, s2;
	_ =	strace $0x80000047;
	s9 =	sshll.u32 s2, $0x7  }
0xa: {  	s25 =	ssub.s32 $0x2, s2;
	s2 =	sshll.u32 s2, $0x4;
	s8 =	sor.u32 s9, s8  }
0xb: {  	s11 =	sshrl.u32 s25, $0x1;
	s2 =	sor.u32 s13, s2;
	s13 =	sshrl.u32 s12, $0x2  }
0xc: {  	s12 =	simm.s32 $0x2;
	s9 =	simm.s32 $0x0;
	s5 =	sadd.s32 s6, s5  }
0xd: {  	s6 =	sadd.s32 $0x14E00, s1;
	s26 =	ssub.s32 s25, s11;
	s14 =	sadd.s32 s13, s4  }
0xe: {  	s11 =	sshrl.u32 s10, $0x2;
	[dreg:$0x6] =	wrdreg s14;
	s16 =	smax.u32 s26, $0x1  }
0xf: {  	s8 =	sshrl.u32 s8, $0x3;
	s20 =	sadd.s32 s11, s3;
	[dreg:$0x9] =	wrdreg s16  }
0x10: {  	s10 =	smul.u32 $0x5000, s2;
	s17 =	sadd.s32 $0x2000, s20;
	[dreg:$0x5] =	wrdreg s20  }
0x11: {  	s2 =	simm.s32 $0x1;
	s18 =	sadd.s32 $0x4000, s20;
	[dreg:$0xa] =	wrdreg s17  }
0x12: {  	s13 =	simm.s32 $0x3;
	s19 =	sadd.s32 $0x6000, s20;
	[dreg:$0xb] =	wrdreg s18  }
0x13: {  	s5 =	sshrl.u32 s5, $0x3;
	s21 =	sadd.s32 $0x8000, s20;
	[dreg:$0xc] =	wrdreg s19  }
0x14: {  	s11 =	simm.s32 $0x1E280;
	s22 =	sadd.s32 $0xA000, s20;
	[dreg:$0xd] =	wrdreg s21  }
0x15: {  	s14 =	simm.s32 $0x4;
	s23 =	sadd.s32 $0xC000, s20;
	[dreg:$0xe] =	wrdreg s22  }
0x16: {  	s5 =	sadd.s32 s5, s1;
	s24 =	sadd.s32 $0xE000, s20;
	[dreg:$0xf] =	wrdreg s23  }
0x17: {  	s1 =	sadd.s32 s8, s1;
	s25 =	sadd.s32 $0x10000, s20;
	[dreg:$0x10] =	wrdreg s24  }
0x18: {  	s26 =	sadd.s32 $0x12000, s20;
	s16 =	simm.s32 $0x16080;
	[dreg:$0x11] =	wrdreg s25  }
0x19: {  	s15 =	sadd.s32 $0x29800, s5;
	s1 =	sadd.s32 $0x28E00, s1;
	[dreg:$0x12] =	wrdreg s26  }
0x1a: {  	s23 =	simm.s32 $0x16280;
	s24 =	simm.s32 $0x5;
	s26 =	simm.s32 $0x14280  }
0x1b: {  	s25 =	simm.s32 $0x1A280;
	s5 =	simm.s32 $0x1C280;
	s17 =	simm.s32 $0x16100  }
0x1c: {  	s18 =	simm.s32 $0x16180;
	s19 =	simm.s32 $0x16200;
	[dreg:$0x7] =	wrdreg s15  }
0x1d: {  	v0 =	vimm.f32 $0.0e+00;
	v1 =	vimm.f32 $1.000000000e+00;
	[dreg:$0x8] =	wrdreg s1;
	s1 =	simm.s32 $0x14380;
	s15 =	simm.s32 $0x15200  }
.LBB2_1:
0x1e: {  	s22 =	simm.s32 $0x0  }
0x1f: {  	s8 =	sand.u32 $0x7E00, s22  }
0x20: {  	[dreg:$0x13] =	wrdreg s9;
	s9 =	sand.u32 $0x70, s22;
	s21 =	sshrl.u32 s8, $0x2  }
0x21: {  	s8 =	simm.s32 $0x40;
	s21 =	sor.u32 s9, s21;
	s9 =	simm.s32 $0x0  }
.LBB2_2:
0x22: {  	p0 =	sne.s32 s8, $0x7FC0  }
0x23: {  	[tilespmem:s21+$0x16280] =	vst v0;
	s9 =	sadd.s32 $0x10, s9;
	s21 =	smov.u32 s8;
	s8 =	sadd.s32 $0x40, s8  }
.Ltmp0:
0x24: {  	(pc) =	sbr.rel @p0 .LBB2_2-.Ltmp0, $4  }
0x25: {  	_ = 	snop  }
0x26: {  	s21 =	sand.u32 $0x7E00, s21  }
0x27: {  	s22 =	sand.u32 $0x70, s9;
	s21 =	sshrl.u32 s21, $0x2  }
0x28: {  	s21 =	sor.u32 s22, s21  }
0x29: {  	[tilespmem:s21+$0x16280] =	vst v0  }
0x2a: {  	[tilespmem:$0x1E280] =	vst v1  }
0x2b: {  	[tilespmem:$0x1E290] =	vst v1  }
0x2c: {  	[tilespmem:$0x1E2A0] =	vst v1  }
0x2d: {  	[tilespmem:$0x1E2B0] =	vst v1  }
0x2e: {  	[tilespmem:$0x1E300] =	vst v0  }
0x2f: {  	[tilespmem:$0x1E310] =	vst v0  }
0x30: {  	[tilespmem:$0x1E320] =	vst v0  }
0x31: {  	[tilespmem:$0x1E330] =	vst v0  }
0x32: {  	[tilespmem:$0x1E340] =	vst v0  }
0x33: {  	[tilespmem:$0x1E350] =	vst v0  }
0x34: {  	[tilespmem:$0x1E360] =	vst v0  }
0x35: {  	[tilespmem:$0x1E370] =	vst v0  }
0x36: {  	[tilespmem:$0x1E380] =	vst v0  }
0x37: {  	[tilespmem:$0x1E390] =	vst v0  }
0x38: {  	[tilespmem:$0x1E3A0] =	vst v0  }
0x39: {  	[tilespmem:$0x1E3B0] =	vst v0  }
0x3a: {  	[tilespmem:$0x1E3C0] =	vst v0  }
0x3b: {  	[tilespmem:$0x1E3D0] =	vst v0  }
0x3c: {  	[tilespmem:$0x1E3E0] =	vst v0  }
0x3d: {  	[tilespmem:$0x1E3F0] =	vst v0  }
0x3e: {  	[tilespmem:$0x1E400] =	vst v0  }
0x3f: {  	[tilespmem:$0x1E410] =	vst v0  }
0x40: {  	[tilespmem:$0x1E420] =	vst v0  }
0x41: {  	[tilespmem:$0x1E430] =	vst v0  }
0x42: {  	[tilespmem:$0x1E440] =	vst v0  }
0x43: {  	[tilespmem:$0x1E450] =	vst v0  }
0x44: {  	[tilespmem:$0x1E460] =	vst v0  }
0x45: {  	[tilespmem:$0x1E470] =	vst v0  }
0x46: {  	[tilespmem:$0x1E480] =	vst v0  }
0x47: {  	[tilespmem:$0x1E490] =	vst v0  }
0x48: {  	[tilespmem:$0x1E4A0] =	vst v0  }
0x49: {  	[tilespmem:$0x1E4B0] =	vst v0  }
0x4a: {  	[tilespmem:$0x1E4C0] =	vst v0  }
0x4b: {  	[tilespmem:$0x1E4D0] =	vst v0  }
0x4c: {  	[tilespmem:$0x1E4E0] =	vst v0  }
0x4d: {  	[tilespmem:$0x1E4F0] =	vst v0  }
0x4e: {  	[tilespmem:$0x1E500] =	vst v0  }
0x4f: {  	[tilespmem:$0x1E510] =	vst v0  }
0x50: {  	[tilespmem:$0x1E520] =	vst v0  }
0x51: {  	[tilespmem:$0x1E530] =	vst v0  }
0x52: {  	[tilespmem:$0x1E540] =	vst v0  }
0x53: {  	[tilespmem:$0x1E550] =	vst v0  }
0x54: {  	[tilespmem:$0x1E560] =	vst v0  }
0x55: {  	[tilespmem:$0x1E570] =	vst v0  }
0x56: {  	[spmem:s20] =	stream.linear.scatter [tilespmem:s23], [sflag:$0x5], $0x2000, $0x38;
	[tilespmem:$0x1E580] =	vst v63  }
0x57: {  	_ =	swait.ge [sflag:s24], $0x2000  }
0x58: {  	[sflag:s24] =	ssyncset.done $0x0  }
0x59: {  	s8 =	rddreg [dreg:$0xa];
	[sflag:s24] =	ssyncadd.s32 $0xFFFFE000  }
0x5a: {  	[spmem:s8] =	stream.linear.scatter [tilespmem:s23], [sflag:$0x5], $0x2000, $0x38;
	[tilespmem:$0x1E580] =	vst v63  }
0x5b: {  	_ =	swait.ge [sflag:s24], $0x2000  }
0x5c: {  	[sflag:s24] =	ssyncset.done $0x0  }
0x5d: {  	s22 =	rddreg [dreg:$0xb];
	[sflag:s24] =	ssyncadd.s32 $0xFFFFE000  }
0x5e: {  	[spmem:s22] =	stream.linear.scatter [tilespmem:s23], [sflag:$0x5], $0x2000, $0x38;
	[tilespmem:$0x1E580] =	vst v63  }
0x5f: {  	_ =	swait.ge [sflag:s24], $0x2000  }
0x60: {  	[sflag:s24] =	ssyncset.done $0x0  }
0x61: {  	s9 =	rddreg [dreg:$0xc];
	[sflag:s24] =	ssyncadd.s32 $0xFFFFE000  }
0x62: {  	[spmem:s9] =	stream.linear.scatter [tilespmem:s23], [sflag:$0x5], $0x2000, $0x38;
	[tilespmem:$0x1E580] =	vst v63  }
0x63: {  	_ =	swait.ge [sflag:s24], $0x2000  }
0x64: {  	[sflag:s24] =	ssyncset.done $0x0  }
0x65: {  	s20 =	rddreg [dreg:$0xd];
	[sflag:s24] =	ssyncadd.s32 $0xFFFFE000  }
0x66: {  	[spmem:s20] =	stream.linear.scatter [tilespmem:s23], [sflag:$0x5], $0x2000, $0x38;
	[tilespmem:$0x1E580] =	vst v63  }
0x67: {  	_ =	swait.ge [sflag:s24], $0x2000  }
0x68: {  	[sflag:s24] =	ssyncset.done $0x0  }
0x69: {  	s21 =	rddreg [dreg:$0xe];
	[sflag:s24] =	ssyncadd.s32 $0xFFFFE000  }
0x6a: {  	[spmem:s21] =	stream.linear.scatter [tilespmem:s23], [sflag:$0x5], $0x2000, $0x38;
	[tilespmem:$0x1E580] =	vst v63  }
0x6b: {  	_ =	swait.ge [sflag:s24], $0x2000  }
0x6c: {  	[sflag:s24] =	ssyncset.done $0x0  }
0x6d: {  	s22 =	rddreg [dreg:$0xf];
	[sflag:s24] =	ssyncadd.s32 $0xFFFFE000  }
0x6e: {  	[spmem:s22] =	stream.linear.scatter [tilespmem:s23], [sflag:$0x5], $0x2000, $0x38;
	[tilespmem:$0x1E580] =	vst v63  }
0x6f: {  	_ =	swait.ge [sflag:s24], $0x2000  }
0x70: {  	[sflag:s24] =	ssyncset.done $0x0  }
0x71: {  	s9 =	rddreg [dreg:$0x10];
	[sflag:s24] =	ssyncadd.s32 $0xFFFFE000  }
0x72: {  	[spmem:s9] =	stream.linear.scatter [tilespmem:s23], [sflag:$0x5], $0x2000, $0x38;
	[tilespmem:$0x1E580] =	vst v63  }
0x73: {  	_ =	swait.ge [sflag:s24], $0x2000  }
0x74: {  	[sflag:s24] =	ssyncset.done $0x0  }
0x75: {  	s20 =	rddreg [dreg:$0x11];
	[sflag:s24] =	ssyncadd.s32 $0xFFFFE000  }
0x76: {  	[spmem:s20] =	stream.linear.scatter [tilespmem:s23], [sflag:$0x5], $0x2000, $0x38;
	[tilespmem:$0x1E580] =	vst v63  }
0x77: {  	_ =	swait.ge [sflag:s24], $0x2000  }
0x78: {  	[sflag:s24] =	ssyncset.done $0x0  }
0x79: {  	s21 =	rddreg [dreg:$0x12];
	[sflag:s24] =	ssyncadd.s32 $0xFFFFE000  }
0x7a: {  	[spmem:s21] =	stream.linear.scatter [tilespmem:s23], [sflag:$0x5], $0x2000, $0x38;
	[tilespmem:$0x1E580] =	vst v63  }
0x7b: {  	_ =	swait.ge [sflag:s24], $0x2000  }
0x7c: {  	[sflag:s24] =	ssyncset.done $0x0  }
0x7d: {  	s9 =	simm.s32 $0x1E300;
	s22 =	rddreg [dreg:$0x6];
	[sflag:s24] =	ssyncadd.s32 $0xFFFFE000  }
0x7e: {  	[spmem:s22] =	stream.linear.scatter [tilespmem:s9], [sflag:$0x5], $0x280, $0x38;
	[tilespmem:$0x1E580] =	vst v63  }
0x7f: {  	_ =	swait.ge [sflag:s24], $0x280  }
0x80: {  	[sflag:s24] =	ssyncset.done $0x0  }
0x81: {  	[sflag:s24] =	ssyncadd.s32 $0xFFFFFD80  }
0x82: {  	s21 =	simm.s32 $0x0;
	s22 =	simm.s32 $0x0;
	[bflag:$0x0] =	sbarrier.arrive $0xFFFF  }
.LBB2_4:
0x83: {  	s8 =	sshll.u32 s22, $0xC  }
0x84: {  	s8 =	sadd.s32 s10, s8  }
0x85: {  	s8 =	sshrl.u32 s8, $0x3  }
0x86: {  	s9 =	sadd.s32 s6, s8  }
0x87: {  	[tilespmem:s26], [sflag:$0x5] =	stream.linear.gather [hbm4b:s9+s21], $0x1000, $0x38;
	[tilespmem:$0x1E580] =	vst v63  }
0x88: {  	_ =	swait.ge [sflag:s24], $0x1000  }
0x89: {  	[sflag:s24] =	ssyncset.done $0x0  }
0x8a: {  	s8 =	sadd.s32 s7, s8;
	[sflag:s24] =	ssyncadd.s32 $0xFFFFF000  }
0x8b: {  	[tilespmem:s28], [sflag:$0x5] =	stream.linear.gather [hbm4b:s8+s21], $0x1000, $0x38;
	[tilespmem:$0x1E580] =	vst v63  }
0x8c: {  	_ =	swait.ge [sflag:s24], $0x1000  }
0x8d: {  	[sflag:s24] =	ssyncset.done $0x0  }
0x8e: {  	[sflag:s24] =	ssyncadd.s32 $0xFFFFF000  }
0x8f: {  	[tilespmem:s23], [sflag:$0x1] =	stream.indirect.gather [hbm4b:s0+s29], $0x80, s26, s29, $0xb8;
	[tilespmem:$0x1E580] =	vst v63  }
0x90: {  	_ = 	snop  }
0x91: {  	[tilespmem:s31], [sflag:$0x2] =	stream.indirect.gather [hbm4b:s0+s29], $0x80, s30, s29, $0xb8;
	[tilespmem:$0x1E580] =	vst v63  }
0x92: {  	_ = 	snop  }
0x93: {  	[tilespmem:s25], [sflag:$0x3] =	stream.indirect.gather [hbm4b:s0+s29], $0x80, s1, s29, $0xb8;
	[tilespmem:$0x1E580] =	vst v63  }
0x94: {  	_ =	swait.ge [sflag:s2], $0x2000  }
0x95: {  	[sflag:s2] =	ssyncset.done $0x0  }
0x96: {  	s9 =	simm.s32 $0x14400;
	[sflag:s2] =	ssyncadd.s32 $0xFFFFE000  }
0x97: {  	[tilespmem:s5], [sflag:$0x4] =	stream.indirect.gather [hbm4b:s0+s29], $0x80, s9, s29, $0xb8;
	[tilespmem:$0x1E580] =	vst v63  }
0x98: {  	s20 =	simm.s32 $0x15280  }
0x99: {  	[spmem:s3] =	stream.indirect.scatter.add.f32 [tilespmem:s23], [sflag:$0x5], $0x80, s20, s29, $0xb8;
	[tilespmem:$0x1E580] =	vst v63  }
0x9a: {  	_ =	swait.ge [sflag:s24], $0x2000  }
0x9b: {  	[sflag:s24] =	ssyncset.done $0x0  }
0x9c: {  	[sflag:s24] =	ssyncadd.s32 $0xFFFFE000  }
0x9d: {  	[spmem:s4] =	stream.indirect.scatter.add.f32 [tilespmem:s11], [sflag:$0x5], $0x1, s20, s29, $0xb8;
	[tilespmem:$0x1E580] =	vst v63  }
0x9e: {  	_ =	swait.ge [sflag:s24], $0x40  }
0x9f: {  	[sflag:s24] =	ssyncset.done $0x0  }
0xa0: {  	[sflag:s24] =	ssyncadd.s32 $0xFFFFFFC0  }
0xa1: {  	_ =	swait.ge [sflag:s12], $0x2000  }
0xa2: {  	[sflag:s12] =	ssyncset.done $0x0  }
0xa3: {  	s9 =	simm.s32 $0x14480;
	[sflag:s12] =	ssyncadd.s32 $0xFFFFE000  }
0xa4: {  	[tilespmem:s23], [sflag:$0x1] =	stream.indirect.gather [hbm4b:s0+s29], $0x80, s9, s29, $0xb8;
	[tilespmem:$0x1E580] =	vst v63  }
0xa5: {  	s20 =	simm.s32 $0x15300  }
0xa6: {  	[spmem:s3] =	stream.indirect.scatter.add.f32 [tilespmem:s31], [sflag:$0x5], $0x80, s20, s29, $0xb8;
	[tilespmem:$0x1E580] =	vst v63  }
0xa7: {  	_ =	swait.ge [sflag:s24], $0x2000  }
0xa8: {  	[sflag:s24] =	ssyncset.done $0x0  }
0xa9: {  	[sflag:s24] =	ssyncadd.s32 $0xFFFFE000  }
0xaa: {  	[spmem:s4] =	stream.indirect.scatter.add.f32 [tilespmem:s11], [sflag:$0x5], $0x1, s20, s29, $0xb8;
	[tilespmem:$0x1E580] =	vst v63  }
0xab: {  	_ =	swait.ge [sflag:s24], $0x40  }
0xac: {  	[sflag:s24] =	ssyncset.done $0x0  }
0xad: {  	[sflag:s24] =	ssyncadd.s32 $0xFFFFFFC0  }
0xae: {  	_ =	swait.ge [sflag:s13], $0x2000  }
0xaf: {  	[sflag:s13] =	ssyncset.done $0x0  }
0xb0: {  	s9 =	simm.s32 $0x14500;
	[sflag:s13] =	ssyncadd.s32 $0xFFFFE000  }
0xb1: {  	[tilespmem:s31], [sflag:$0x2] =	stream.indirect.gather [hbm4b:s0+s29], $0x80, s9, s29, $0xb8;
	[tilespmem:$0x1E580] =	vst v63  }
0xb2: {  	s20 =	simm.s32 $0x15380  }
0xb3: {  	[spmem:s3] =	stream.indirect.scatter.add.f32 [tilespmem:s25], [sflag:$0x5], $0x80, s20, s29, $0xb8;
	[tilespmem:$0x1E580] =	vst v63  }
0xb4: {  	_ =	swait.ge [sflag:s24], $0x2000  }
0xb5: {  	[sflag:s24] =	ssyncset.done $0x0  }
0xb6: {  	[sflag:s24] =	ssyncadd.s32 $0xFFFFE000  }
0xb7: {  	[spmem:s4] =	stream.indirect.scatter.add.f32 [tilespmem:s11], [sflag:$0x5], $0x1, s20, s29, $0xb8;
	[tilespmem:$0x1E580] =	vst v63  }
0xb8: {  	_ =	swait.ge [sflag:s24], $0x40  }
0xb9: {  	[sflag:s24] =	ssyncset.done $0x0  }
0xba: {  	[sflag:s24] =	ssyncadd.s32 $0xFFFFFFC0  }
0xbb: {  	_ =	swait.ge [sflag:s14], $0x2000  }
0xbc: {  	[sflag:s14] =	ssyncset.done $0x0  }
0xbd: {  	s9 =	simm.s32 $0x14580;
	[sflag:s14] =	ssyncadd.s32 $0xFFFFE000  }
0xbe: {  	[tilespmem:s25], [sflag:$0x3] =	stream.indirect.gather [hbm4b:s0+s29], $0x80, s9, s29, $0xb8;
	[tilespmem:$0x1E580] =	vst v63  }
0xbf: {  	s20 =	simm.s32 $0x15400  }
0xc0: {  	[spmem:s3] =	stream.indirect.scatter.add.f32 [tilespmem:s5], [sflag:$0x5], $0x80, s20, s29, $0xb8;
	[tilespmem:$0x1E580] =	vst v63  }
0xc1: {  	_ =	swait.ge [sflag:s24], $0x2000  }
0xc2: {  	[sflag:s24] =	ssyncset.done $0x0  }
0xc3: {  	[sflag:s24] =	ssyncadd.s32 $0xFFFFE000  }
0xc4: {  	[spmem:s4] =	stream.indirect.scatter.add.f32 [tilespmem:s11], [sflag:$0x5], $0x1, s20, s29, $0xb8;
	[tilespmem:$0x1E580] =	vst v63  }
0xc5: {  	_ =	swait.ge [sflag:s24], $0x40  }
0xc6: {  	s9 =	simm.s32 $0x800;
	[sflag:s24] =	ssyncset.done $0x0  }
.LBB2_5:
0xc7: {  	p0 =	sne.s32 s9, $0x3000  }
0xc8: {  	[sflag:s24] =	ssyncadd.s32 $0xFFFFFFC0;
	s8 =	smov.u32 s9;
	s9 =	sadd.s32 $0x800, s9  }
0xc9: {  	_ =	swait.ge [sflag:s2], $0x2000  }
0xca: {  	s8 =	sshra.s32 s8, $0x2;
	[sflag:s2] =	ssyncset.done $0x0  }
0xcb: {  	s20 =	sadd.s32 $0x14400, s8;
	[sflag:s2] =	ssyncadd.s32 $0xFFFFE000  }
0xcc: {  	[tilespmem:s5], [sflag:$0x4] =	stream.indirect.gather [hbm4b:s0+s29], $0x80, s20, s29, $0xb8;
	[tilespmem:$0x1E580] =	vst v63  }
0xcd: {  	s20 =	sadd.s32 $0x15280, s8  }
0xce: {  	[spmem:s3] =	stream.indirect.scatter.add.f32 [tilespmem:s23], [sflag:$0x5], $0x80, s20, s29, $0xb8;
	[tilespmem:$0x1E580] =	vst v63  }
0xcf: {  	_ =	swait.ge [sflag:s24], $0x2000  }
0xd0: {  	[sflag:s24] =	ssyncset.done $0x0  }
0xd1: {  	[sflag:s24] =	ssyncadd.s32 $0xFFFFE000  }
0xd2: {  	[spmem:s4] =	stream.indirect.scatter.add.f32 [tilespmem:s11], [sflag:$0x5], $0x1, s20, s29, $0xb8;
	[tilespmem:$0x1E580] =	vst v63  }
0xd3: {  	_ =	swait.ge [sflag:s24], $0x40  }
0xd4: {  	[sflag:s24] =	ssyncset.done $0x0  }
0xd5: {  	[sflag:s24] =	ssyncadd.s32 $0xFFFFFFC0  }
0xd6: {  	_ =	swait.ge [sflag:s12], $0x2000  }
0xd7: {  	[sflag:s12] =	ssyncset.done $0x0  }
0xd8: {  	s20 =	sadd.s32 $0x14480, s8;
	[sflag:s12] =	ssyncadd.s32 $0xFFFFE000  }
0xd9: {  	[tilespmem:s23], [sflag:$0x1] =	stream.indirect.gather [hbm4b:s0+s29], $0x80, s20, s29, $0xb8;
	[tilespmem:$0x1E580] =	vst v63  }
0xda: {  	s20 =	sadd.s32 $0x15300, s8  }
0xdb: {  	[spmem:s3] =	stream.indirect.scatter.add.f32 [tilespmem:s31], [sflag:$0x5], $0x80, s20, s29, $0xb8;
	[tilespmem:$0x1E580] =	vst v63  }
0xdc: {  	_ =	swait.ge [sflag:s24], $0x2000  }
0xdd: {  	[sflag:s24] =	ssyncset.done $0x0  }
0xde: {  	[sflag:s24] =	ssyncadd.s32 $0xFFFFE000  }
0xdf: {  	[spmem:s4] =	stream.indirect.scatter.add.f32 [tilespmem:s11], [sflag:$0x5], $0x1, s20, s29, $0xb8;
	[tilespmem:$0x1E580] =	vst v63  }
0xe0: {  	_ =	swait.ge [sflag:s24], $0x40  }
0xe1: {  	[sflag:s24] =	ssyncset.done $0x0  }
0xe2: {  	[sflag:s24] =	ssyncadd.s32 $0xFFFFFFC0  }
0xe3: {  	_ =	swait.ge [sflag:s13], $0x2000  }
0xe4: {  	[sflag:s13] =	ssyncset.done $0x0  }
0xe5: {  	s20 =	sadd.s32 $0x14500, s8;
	[sflag:s13] =	ssyncadd.s32 $0xFFFFE000  }
0xe6: {  	[tilespmem:s31], [sflag:$0x2] =	stream.indirect.gather [hbm4b:s0+s29], $0x80, s20, s29, $0xb8;
	[tilespmem:$0x1E580] =	vst v63  }
0xe7: {  	s20 =	sadd.s32 $0x15380, s8  }
0xe8: {  	[spmem:s3] =	stream.indirect.scatter.add.f32 [tilespmem:s25], [sflag:$0x5], $0x80, s20, s29, $0xb8;
	[tilespmem:$0x1E580] =	vst v63  }
0xe9: {  	_ =	swait.ge [sflag:s24], $0x2000  }
0xea: {  	[sflag:s24] =	ssyncset.done $0x0  }
0xeb: {  	[sflag:s24] =	ssyncadd.s32 $0xFFFFE000  }
0xec: {  	[spmem:s4] =	stream.indirect.scatter.add.f32 [tilespmem:s11], [sflag:$0x5], $0x1, s20, s29, $0xb8;
	[tilespmem:$0x1E580] =	vst v63  }
0xed: {  	_ =	swait.ge [sflag:s24], $0x40  }
0xee: {  	[sflag:s24] =	ssyncset.done $0x0  }
0xef: {  	[sflag:s24] =	ssyncadd.s32 $0xFFFFFFC0  }
0xf0: {  	_ =	swait.ge [sflag:s14], $0x2000  }
0xf1: {  	[sflag:s14] =	ssyncset.done $0x0  }
0xf2: {  	s20 =	sadd.s32 $0x14580, s8;
	[sflag:s14] =	ssyncadd.s32 $0xFFFFE000  }
0xf3: {  	[tilespmem:s25], [sflag:$0x3] =	stream.indirect.gather [hbm4b:s0+s29], $0x80, s20, s29, $0xb8;
	[tilespmem:$0x1E580] =	vst v63  }
0xf4: {  	s8 =	sadd.s32 $0x15400, s8  }
0xf5: {  	[spmem:s3] =	stream.indirect.scatter.add.f32 [tilespmem:s5], [sflag:$0x5], $0x80, s8, s29, $0xb8;
	[tilespmem:$0x1E580] =	vst v63  }
0xf6: {  	_ =	swait.ge [sflag:s24], $0x2000  }
.Ltmp1:
0xf7: {  	[sflag:s24] =	ssyncset.done $0x0;
	(pc) =	sbr.rel @p0 .LBB2_5-.Ltmp1, $4  }
0xf8: {  	[sflag:s24] =	ssyncadd.s32 $0xFFFFE000  }
0xf9: {  	[spmem:s4] =	stream.indirect.scatter.add.f32 [tilespmem:s11], [sflag:$0x5], $0x1, s8, s29, $0xb8;
	[tilespmem:$0x1E580] =	vst v63  }
0xfa: {  	_ =	swait.ge [sflag:s24], $0x40  }
0xfb: {  	[sflag:s24] =	ssyncset.done $0x0  }
0xfc: {  	[sflag:s24] =	ssyncadd.s32 $0xFFFFFFC0  }
0xfd: {  	_ =	swait.ge [sflag:s2], $0x2000  }
0xfe: {  	[sflag:s2] =	ssyncset.done $0x0  }
0xff: {  	[sflag:s2] =	ssyncadd.s32 $0xFFFFE000  }
0x100: {  	[tilespmem:s5], [sflag:$0x4] =	stream.indirect.gather [hbm4b:s0+s29], $0x80, s15, s29, $0xb8;
	[tilespmem:$0x1E580] =	vst v63  }
0x101: {  	_ = 	snop  }
0x102: {  	[spmem:s3] =	stream.indirect.scatter.add.f32 [tilespmem:s23], [sflag:$0x5], $0x80, s16, s29, $0xb8;
	[tilespmem:$0x1E580] =	vst v63  }
0x103: {  	_ =	swait.ge [sflag:s24], $0x2000  }
0x104: {  	[sflag:s24] =	ssyncset.done $0x0  }
0x105: {  	[sflag:s24] =	ssyncadd.s32 $0xFFFFE000  }
0x106: {  	[spmem:s4] =	stream.indirect.scatter.add.f32 [tilespmem:s11], [sflag:$0x5], $0x1, s16, s29, $0xb8;
	[tilespmem:$0x1E580] =	vst v63  }
0x107: {  	_ =	swait.ge [sflag:s24], $0x40  }
0x108: {  	[sflag:s24] =	ssyncset.done $0x0  }
0x109: {  	[sflag:s24] =	ssyncadd.s32 $0xFFFFFFC0  }
0x10a: {  	_ =	swait.ge [sflag:s12], $0x2000  }
0x10b: {  	[sflag:s12] =	ssyncset.done $0x0  }
0x10c: {  	[sflag:s12] =	ssyncadd.s32 $0xFFFFE000  }
0x10d: {  	[spmem:s3] =	stream.indirect.scatter.add.f32 [tilespmem:s31], [sflag:$0x5], $0x80, s17, s29, $0xb8;
	[tilespmem:$0x1E580] =	vst v63  }
0x10e: {  	_ =	swait.ge [sflag:s24], $0x2000  }
0x10f: {  	[sflag:s24] =	ssyncset.done $0x0  }
0x110: {  	[sflag:s24] =	ssyncadd.s32 $0xFFFFE000  }
0x111: {  	[spmem:s4] =	stream.indirect.scatter.add.f32 [tilespmem:s11], [sflag:$0x5], $0x1, s17, s29, $0xb8;
	[tilespmem:$0x1E580] =	vst v63  }
0x112: {  	_ =	swait.ge [sflag:s24], $0x40  }
0x113: {  	[sflag:s24] =	ssyncset.done $0x0  }
0x114: {  	[sflag:s24] =	ssyncadd.s32 $0xFFFFFFC0  }
0x115: {  	_ =	swait.ge [sflag:s13], $0x2000  }
0x116: {  	[sflag:s13] =	ssyncset.done $0x0  }
0x117: {  	[sflag:s13] =	ssyncadd.s32 $0xFFFFE000  }
0x118: {  	[spmem:s3] =	stream.indirect.scatter.add.f32 [tilespmem:s25], [sflag:$0x5], $0x80, s18, s29, $0xb8;
	[tilespmem:$0x1E580] =	vst v63  }
0x119: {  	_ =	swait.ge [sflag:s24], $0x2000  }
0x11a: {  	[sflag:s24] =	ssyncset.done $0x0  }
0x11b: {  	[sflag:s24] =	ssyncadd.s32 $0xFFFFE000  }
0x11c: {  	[spmem:s4] =	stream.indirect.scatter.add.f32 [tilespmem:s11], [sflag:$0x5], $0x1, s18, s29, $0xb8;
	[tilespmem:$0x1E580] =	vst v63  }
0x11d: {  	_ =	swait.ge [sflag:s24], $0x40  }
0x11e: {  	[sflag:s24] =	ssyncset.done $0x0  }
0x11f: {  	[sflag:s24] =	ssyncadd.s32 $0xFFFFFFC0  }
0x120: {  	_ =	swait.ge [sflag:s14], $0x2000  }
0x121: {  	[sflag:s14] =	ssyncset.done $0x0  }
0x122: {  	[sflag:s14] =	ssyncadd.s32 $0xFFFFE000  }
0x123: {  	[spmem:s3] =	stream.indirect.scatter.add.f32 [tilespmem:s5], [sflag:$0x5], $0x80, s19, s29, $0xb8;
	[tilespmem:$0x1E580] =	vst v63  }
0x124: {  	s22 =	sadd.s32 $0x1, s22;
	_ =	swait.ge [sflag:s24], $0x2000  }
0x125: {  	p0 =	sne.s32 s22, $0x5;
	[sflag:s24] =	ssyncset.done $0x0  }
.Ltmp2:
0x126: {  	[sflag:s24] =	ssyncadd.s32 $0xFFFFE000;
	(pc) =	sbr.rel @p0 .LBB2_4-.Ltmp2, $4  }
0x127: {  	[spmem:s4] =	stream.indirect.scatter.add.f32 [tilespmem:s11], [sflag:$0x5], $0x1, s19, s29, $0xb8;
	[tilespmem:$0x1E580] =	vst v63  }
0x128: {  	_ =	swait.ge [sflag:s24], $0x40  }
0x129: {  	[sflag:s24] =	ssyncset.done $0x0  }
0x12a: {  	[sflag:s24] =	ssyncadd.s32 $0xFFFFFFC0  }
0x12b: {  	s8 =	stileid.u32;
	[bflag:$0x0] =	sbarrier.arrive $0xFFFF  }
0x12c: {  	s8 =	sshll.u32 s8, $0x6;
	s20 =	rddreg [dreg:$0x5]  }
0x12d: {  	s21 =	rddreg [dreg:$0x7];
	s8 =	sor.u32 $0x1C05, s8;
	s9 =	sshrl.u32 s20, $0x3  }
0x12e: {  	[hbm:s21], [sflag:s8] =	dma.local [spmem:s9], $0x2800  }
0x12f: {  	_ =	swait.ge [sflag:s24], $0x2800  }
0x130: {  	s22 =	rddreg [dreg:$0x6]  }
0x131: {  	s28 =	simm.s32 $0x10;
	[sflag:s24] =	ssyncset.done $0x0;
	s21 =	rddreg [dreg:$0x8]  }
0x132: {  	[sflag:s24] =	ssyncadd.s32 $0xFFFFD800;
	s9 =	sshrl.u32 s22, $0x3;
	s22 =	simm.s32 $0x20  }
0x133: {  	[hbm:s21@s22], [sflag:s8] =	dma.strided [spmem:s9@s28], $0x50, s2, $0x10   }
0x134: {  	_ =	swait.ge [sflag:s24], $0x50  }
0x135: {  	s21 =	rddreg [dreg:$0x13]  }
0x136: {  	s22 =	rddreg [dreg:$0x9];
	s9 =	sadd.s32 $0x1, s21  }
0x137: {  	p0 =	sne.s32 s9, s22  }
.Ltmp3:
0x138: {  	_ = 	snop;
	(pc) =	sbr.rel @p0 .LBB2_1-.Ltmp3, $3  }
0x139: {  	_ =	sdelay $0x1  }
0x13a: {  	[sflag:s24] =	ssyncset.done $0x0  }
0x13b: {  	s28 =	simm.s32 $0x15280;
	[sflag:s24] =	ssyncadd.s32 $0xFFFFFFB0  }
0x13c: {  	_ =	sfence.sel $0x180000  }
0x13d: {  	[bflag:$0x0] =	sbarrier.arrive $0xFFFF  }
0x13e: {  	_ =	strace $0x90000047  }
0x13f: {  	s0 =	stileid.u32;
	[bflag:$0x2] =	sbarrier.arrive $0xFFFF  }
0x140: {  	p0 =	sne.s32 s0, $0x0;
	s0 =	rddreg [dreg:$0x4]  }
0x141: {  	s0 =	sadd.s32 @!p0 $0x100000, s0  }
0x142: {  	[sflag:s0] =	ssyncadd.tile.s32 @!p0 $0x1;
	_ =	shalt  }
.Lfunc_end2:
_tile_overlayer_lowered:
.L_overlay_start_2:
0x143: {  	(tag) =	ssettag $0x2  }
0x144: {  	s0 =	rddreg [dreg:$0x0];
	s2 =	stileid.u32  }
0x145: {  	s1 =	rddreg [dreg:$0x1];
	p0 =	sne.s32 s2, $0x0  }
0x146: {  	s3 =	rddreg [dreg:$0x2];
	[bflag:$0x3] =	sbarrier.arrive $0xFFFF;
	s2 =	simm.s32 @!p0 $0x1C05  }
0x147: {  	[timem:s3], [sflag:s2] =	dma.local @!p0 [hbm:s0], s1  }
0x148: {  	s0 =	simm.s32 @!p0 $0x5  }
0x149: {  	_ =	swait.ge @!p0 [sflag:s0], s1  }
0x14a: {  	s1 =	ssub.s32 @!p0 $0x0, s1;
	[sflag:s0] =	ssyncset.done @!p0 $0x0  }
0x14b: {  	[sflag:s0] =	ssyncadd.s32 @!p0 s1  }
0x14c: {  	[bflag:$0x3] =	sbarrier.arrive $0xFFFF  }
0x14d: {  	_ =	shalt  }

</sc_bundles>
